<compile_context>
chip_gen: v7x
topology: tpu7x:2x2x1
jax: 0.10.2.dev20260603
libtpu: 0.0.44.dev20260713+nightly
codegen_flags: <defaults>
</compile_context>

<pallas_src>
import jax
import jax.numpy as jnp
from jax.experimental import pallas as pl
from jax.experimental.pallas import tpu as pltpu

_B, _N, _C, _PRE, _POST = 4, 20000, 18, 2048, 256
_SCORE_THR = 0.05


def _copy_body(br_ref, out_ref):
    out_ref[...] = br_ref[:_B * _POST, :]


@jax.jit
def kernel(pred_cls_logits, pred_box_deltas, proposal_boxes, origins):
    f32 = jnp.float32
    scores = jax.nn.softmax(pred_cls_logits, axis=-1)[..., :-1]
    cand = jnp.where(scores > _SCORE_THR, scores, -1.0).reshape(_B, _N * _C)
    top_s, top_i = jax.lax.top_k(cand, _PRE)
    cls = top_i % _C
    delt = jnp.take_along_axis(pred_box_deltas.reshape(_B, _N * _C, 6),
                               top_i[..., None], axis=1)
    n_idx = top_i // _C
    prop = jnp.take_along_axis(proposal_boxes, n_idx[..., None], axis=1)
    orig = jnp.take_along_axis(origins, n_idx[..., None], axis=1)
    box = prop + delt
    lo = orig - box[..., :3]
    hi = orig + box[..., 3:]
    br = jnp.concatenate([lo, hi, top_s[..., None],
                          cls.astype(f32)[..., None]], axis=-1)
    outk = pl.pallas_call(
        _copy_body,
        out_shape=jax.ShapeDtypeStruct((_B * _POST, 8), f32),
    )(br.reshape(_B * _PRE, 8))
    outk = outk.reshape(_B, _POST, 8)
    return outk[..., :7], outk[..., 7].astype(jnp.int32)

# --- scband reference (transcript-rebuilt; emitter-appended) ---
"""Pipeline reference for scband-standard-roiheads-83408264888699 (READ-ONLY COPY).

The authoritative reference and input builder live on the scoring server;
editing this copy changes nothing except your own understanding.
"""

import jax, jax.numpy as jnp
import numpy as np

B = 4
N = 20000
C = 18
PRE_NMS = 2048
POST_NMS = 256
IOU_THR = 0.25
SCORE_THR = 0.05


def lbdrfu_to_xyzxyz(boxes, origins):
    # boxes[..., :3] = (left, bottom, down) offsets, boxes[..., 3:] = (right, front, up) offsets
    lo = origins - boxes[..., :3]
    hi = origins + boxes[..., 3:]
    return jnp.concatenate([lo, hi], axis=-1)


def pairwise_iou_3d(boxes):
    # boxes: [M, 6] in xyzxyz
    lo = jnp.maximum(boxes[:, None, :3], boxes[None, :, :3])
    hi = jnp.minimum(boxes[:, None, 3:], boxes[None, :, 3:])
    inter = jnp.prod(jnp.clip(hi - lo, 0.0, None), axis=-1)
    vol = jnp.prod(jnp.clip(boxes[:, 3:] - boxes[:, :3], 0.0, None), axis=-1)
    union = vol[:, None] + vol[None, :] - inter
    return inter / jnp.maximum(union, 1e-9)


def greedy_nms_mask(ious, valid, thr):
    M = ious.shape[0]
    idxs = jnp.arange(M)

    def body(i, keep):
        suppress = keep[i] & (ious[i] > thr) & (idxs > i)
        return keep & (~suppress)

    return jax.lax.fori_loop(0, M, body, valid)


def predict_one(logits, deltas, prop, orig):
    # scores = softmax(cls_logits)[:, :-1], drop background class
    scores = jax.nn.softmax(logits, axis=-1)[:, :-1]                 # [N, C]
    # per-class box regression: proposal + delta (cls_agnostic_bbox_reg=False path)
    boxes = prop[:, None, :] + deltas                                # [N, C, 6] LBDRFU
    xyz = lbdrfu_to_xyzxyz(boxes, orig[:, None, :])                  # [N, C, 6] XYZXYZ
    # filter_mask = scores > 0.05 ; fixed-shape via masking + pre-NMS top-k
    valid = scores > SCORE_THR
    cand = jnp.where(valid, scores, -1.0).reshape(-1)                # [N*C]
    top_s, top_i = jax.lax.top_k(cand, PRE_NMS)
    cls_idx = top_i % C
    cand_boxes = xyz.reshape(-1, 6)[top_i]                           # [PRE, 6]
    # batched_nms_3d via per-class coordinate offset trick
    max_coord = jnp.max(jnp.abs(cand_boxes)) + 1.0
    shifted = cand_boxes + (cls_idx.astype(jnp.float32) * 2.0 * max_coord)[:, None]
    ious = pairwise_iou_3d(shifted)
    keep = jax.lax.stop_gradient(greedy_nms_mask(ious, top_s > 0.0, IOU_THR))
    keep_scores = jnp.where(keep, top_s, -1.0)
    fs, fi = jax.lax.top_k(keep_scores, POST_NMS)                    # keep[:topk_per_image]
    final_boxes = cand_boxes[fi]                                     # [POST, 6]
    final_cls = cls_idx[fi]                                          # [POST]
    out = jnp.concatenate([final_boxes, fs[:, None]], axis=-1)       # [POST, 7]
    return out, final_cls


def setup_inputs(seed: int = 0):
    key = jax.random.key(seed)
    k1, k2, k3, k4 = jax.random.split(key, 4)
    return {
        "pred_cls_logits": jax.random.normal(k1, (B, N, C + 1), jnp.float32),
        "pred_box_deltas": jax.random.normal(k2, (B, N, C, 6), jnp.float32) * 0.05,
        "proposal_boxes": jax.random.uniform(k3, (B, N, 6), jnp.float32, minval=0.1, maxval=1.0),
        "origins": jax.random.uniform(k4, (B, N, 3), jnp.float32, minval=0.0, maxval=10.0),
    }


def reference(pred_cls_logits, pred_box_deltas, proposal_boxes, origins):
    out, cls = jax.vmap(predict_one)(pred_cls_logits, pred_box_deltas, proposal_boxes, origins)
    return out, cls

if __name__ == "__main__":
    import jax
    _d = setup_inputs()
    print(jax.jit(kernel)(*tuple(_d.values())))

</pallas_src>

<mosaic_0001>
module attributes {stable_mosaic.version = 14 : i64} {
  func.func @_copy_body(%arg0: memref<8192x8xf32, #tpu.memory_space<vmem>>, %arg1: memref<1024x8xf32, #tpu.memory_space<vmem>>) attributes {dimension_semantics = [], scalar_prefetch = 0 : i64, scratch_operands = 0 : i64, tpu.core_type = #tpu.core_type<tc>} {
    %get3A = arith.constant 0 : index
    %get3A_0 = arith.constant 0 : index
    %get3A_1 = vector.load %arg0[%get3A, %get3A_0] : memref<8192x8xf32, #tpu.memory_space<vmem>>, vector<1024x8xf32>
    %swap3A = arith.constant 0 : index
    %swap3A_2 = arith.constant 0 : index
    %swap3A_3 = vector.load %arg1[%swap3A, %swap3A_2] : memref<1024x8xf32, #tpu.memory_space<vmem>>, vector<1024x8xf32>
    tpu.vector_store %arg1[%swap3A, %swap3A_2], %get3A_1 {strides = array<i32>} : memref<1024x8xf32, #tpu.memory_space<vmem>>, vector<1024x8xf32>,
    return
  }
}

</mosaic_0001>

<sc_bundles>
// kernel: gather_offload_async_start.1
scs
__scs_entry_jumppad:
0x0: {  	(pc) =	sbr.rel $0x88, $3  }
0x1: {  	(tag) =	ssettag $0x0;
	lr =	simm.s32 $0x1  }
0x2: {  	[smem:$0x3F9D] =	sst lr;
	_ =	strace $0xD0000000  }
0x3: {  	_ = 	snop  }
0x4: {  	_ = 	snop  }
0x5: {  	_ = 	snop  }
0x6: {  	_ = 	snop  }
0x7: {  	_ = 	snop  }
__scs_overlays_trampoline_lowered:
0x8: {  	[smem:$0x3FAC] =	sst s0  }
0x9: {  	[smem:$0x3FAD] =	sst s1  }
0xa: {  	[smem:$0x3FAE] =	sst s2  }
0xb: {  	[smem:$0x3FAF] =	sst s3  }
0xc: {  	[smem:$0x3FB0] =	sst s4  }
0xd: {  	[smem:$0x3FB1] =	sst s5  }
0xe: {  	[smem:$0x3FB2] =	sst s6  }
0xf: {  	[smem:$0x3FB3] =	sst s7  }
0x10: {  	[smem:$0x3FB4] =	sst s8  }
0x11: {  	[smem:$0x3FB5] =	sst s9;
	s0 =	simm.s32 @!p0 $0x0  }
0x12: {  	s1 =	sld [smem:$0x3F9B];
	s0 =	simm.s32 @p0 $0x1  }
0x13: {  	[smem:$0x3FB6] =	sst s0;
	s0 =	simm.s32 @!p1 $0x0  }
0x14: {  	s2 =	sld [smem:$0x3F9A];
	s0 =	simm.s32 @p1 $0x1  }
0x15: {  	[smem:$0x3FB7] =	sst s0;
	s0 =	simm.s32 @!p2 $0x0  }
0x16: {  	s3 =	sld [smem:$0x3FDB];
	s0 =	simm.s32 @p2 $0x1  }
0x17: {  	s4 =	simm.s32 $0x1BF5;
	[smem:$0x3FB9] =	sst s0  }
0x18: {  	s0 =	sld [smem:$0x3F9C];
	_ =	swait.ge [sflag:s4], $0x0  }
0x19: {  	s7 =	sld [smem:$0x3F9D]  }
0x1a: {  	s8 =	sadd.s32 $0xFFFFE003, lr  }
0x1b: {  	s9 =	sadd.s32 $0xFFFFFEF7, lr;
	s5 =	simm.s32 $0xFFFFFFFF;
	p2 =	slt.u32 s8, $0xFFFFF086  }
0x1c: {  	p1 =	slt.u32 s9, $0xF7A;
	s5 =	simm.s32 @!p2 $0x0  }
0x1d: {  	s5 =	simm.s32 @p1 $0x1;
	p0 =	seq.s32 s7, s2  }
0x1e: {  	s7 =	smul.u32 @!p0 $0xF7A, s2;
	p2 =	seq.s32 @!p0 s5, $0x0  }
0x1f: {  	s9 =	smul.u32 $0xF7A, s1;
	s8 =	simm.s32 @!p0 $0x1BF5;
	p2 =	por !p2, p0  }
0x20: {  	[sflag:s8] =	ssyncset.s32 @!p0 $0xFFFFF086;
	s6 =	sadd.s32 @!p0 s3, s7;
	s7 =	simm.s32 @!p0 $0x108  }
0x21: {  	s3 =	sadd.s32 s3, s9;
	s6 =	sadd.s32 @!p0 $0x88, s6;
	s7 =	simm.s32 @p2 $0x1082  }
0x22: {  	[simem:s7], [sflag:s8] =	dma.local @!p0 [hbm:s6], $0xF7A  }
0x23: {  	s9 =	sor.u32 $0xD0000000, s2;
	s6 =	simm.s32 $0x108;
	_ =	swait.ge @!p0 [sflag:s8], $0x0  }
0x24: {  	s3 =	sadd.s32 $0x88, s3;
	s6 =	simm.s32 @!p1 $0x1082;
	[sflag:s4] =	ssyncset.s32 $0xFFFFF086  }
0x25: {  	[simem:s6], [sflag:s4] =	dma.local [hbm:s3], $0xF7A  }
0x26: {  	[smem:$0x3F9D] =	sst s1;
	(tag) =	ssettag s2;
	_ =	strace s9  }
0x27: {  	s1 =	sld [smem:$0x3FAD]  }
0x28: {  	s2 =	sld [smem:$0x3FAE]  }
0x29: {  	s4 =	sld [smem:$0x3FB0]  }
0x2a: {  	p0 =	seq.s32 s5, $0x0;
	s5 =	sld [smem:$0x3FB1]  }
0x2b: {  	s6 =	sld [smem:$0x3FB2]  }
0x2c: {  	s7 =	sld [smem:$0x3FB3]  }
0x2d: {  	s3 =	simm.s32 $0x108;
	s8 =	sld [smem:$0x3FB4]  }
0x2e: {  	s3 =	simm.s32 @!p0 $0x1082;
	s9 =	sld [smem:$0x3FB5]  }
0x2f: {  	lr =	sadd.s32 s0, s3;
	s0 =	sld [smem:$0x3FAC]  }
0x30: {  	s3 =	sld [smem:$0x3FAF]  }
0x31: {  	[smem:$0x3FB8] =	sst s10  }
0x32: {  	s10 =	sld [smem:$0x3FB6];
	_ =	sdelay $0x3  }
0x33: {  	p0 =	seq.s32 s10, $0x1;
	s10 =	sld [smem:$0x3FB8];
	_ =	sdelay $0x3  }
0x34: {  	[smem:$0x3FB8] =	sst s10  }
0x35: {  	s10 =	sld [smem:$0x3FB7];
	_ =	sdelay $0x3  }
0x36: {  	p1 =	seq.s32 s10, $0x1;
	s10 =	sld [smem:$0x3FB8];
	_ =	sdelay $0x3  }
0x37: {  	[smem:$0x3FB8] =	sst s10  }
0x38: {  	s10 =	sld [smem:$0x3FB9]  }
0x39: {  	_ = 	snop;
	(pc) =	sbr.ind lr, $3  }
0x3a: {  	_ = 	snop  }
0x3b: {  	_ = 	snop  }
0x3c: {  	p2 =	seq.s32 s10, $0x1;
	s10 =	sld [smem:$0x3FB8]  }
0x3d: {  	_ =	shalt  }
0x3e: {  	_ =	shalt  }
0x3f: {  	_ =	shalt  }
0x40: {  	_ =	shalt  }
0x41: {  	_ =	shalt  }
0x42: {  	_ =	shalt  }
0x43: {  	_ =	shalt  }
0x44: {  	_ =	shalt  }
0x45: {  	_ =	shalt  }
0x46: {  	_ =	shalt  }
0x47: {  	_ =	shalt  }
0x48: {  	_ =	shalt  }
0x49: {  	_ =	shalt  }
0x4a: {  	_ =	shalt  }
0x4b: {  	_ =	shalt  }
0x4c: {  	_ =	shalt  }
0x4d: {  	_ =	shalt  }
0x4e: {  	_ =	shalt  }
0x4f: {  	_ =	shalt  }
0x50: {  	_ =	shalt  }
0x51: {  	_ =	shalt  }
0x52: {  	_ =	shalt  }
0x53: {  	_ =	shalt  }
0x54: {  	_ =	shalt  }
0x55: {  	_ =	shalt  }
0x56: {  	_ =	shalt  }
0x57: {  	_ =	shalt  }
0x58: {  	_ =	shalt  }
0x59: {  	_ =	shalt  }
0x5a: {  	_ =	shalt  }
0x5b: {  	_ =	shalt  }
0x5c: {  	_ =	shalt  }
0x5d: {  	_ =	shalt  }
0x5e: {  	_ =	shalt  }
0x5f: {  	_ =	shalt  }
0x60: {  	_ =	shalt  }
0x61: {  	_ =	shalt  }
0x62: {  	_ =	shalt  }
0x63: {  	_ =	shalt  }
0x64: {  	_ =	shalt  }
0x65: {  	_ =	shalt  }
0x66: {  	_ =	shalt  }
0x67: {  	_ =	shalt  }
0x68: {  	_ =	shalt  }
0x69: {  	_ =	shalt  }
0x6a: {  	_ =	shalt  }
0x6b: {  	_ =	shalt  }
0x6c: {  	_ =	shalt  }
0x6d: {  	_ =	shalt  }
0x6e: {  	_ =	shalt  }
0x6f: {  	_ =	shalt  }
0x70: {  	_ =	shalt  }
0x71: {  	_ =	shalt  }
0x72: {  	_ =	shalt  }
0x73: {  	_ =	shalt  }
0x74: {  	_ =	shalt  }
0x75: {  	_ =	shalt  }
0x76: {  	_ =	shalt  }
0x77: {  	_ =	shalt  }
0x78: {  	_ =	shalt  }
0x79: {  	_ =	shalt  }
0x7a: {  	_ =	shalt  }
0x7b: {  	_ =	shalt  }
0x7c: {  	_ =	shalt  }
0x7d: {  	_ =	shalt  }
0x7e: {  	_ =	shalt  }
0x7f: {  	_ =	shalt  }
0x80: {  	_ =	shalt  }
0x81: {  	_ =	shalt  }
0x82: {  	_ =	shalt  }
0x83: {  	_ =	shalt  }
0x84: {  	_ =	shalt  }
0x85: {  	_ =	shalt  }
0x86: {  	_ =	shalt  }
0x87: {  	_ =	shalt  }
.Lfunc_end0:
.L_simem_size_0:
called_computation.2_lowered:
.L_overlay_start_0:
0x88: {  	s2 =	sld [smem:$0x3FD9]  }
0x89: {  	s3 =	sld [smem:$0x3FFE];
	_ =	sdelay $0x1  }
0x8a: {  	s1 =	srdreg.scid  }
0x8b: {  	s0 =	sand.u32 $0x1, s1  }
0x8c: {  	s17 =	sshll.u32 s0, $0xA;
	s2 =	sadd.s32 s3, s2  }
0x8d: {  	s2 =	sadd.s32 s2, s17  }
0x8e: {  	[smem:$0x3FC4] =	sst s2  }
0x8f: {  	_ = 	snop  }
0x90: {  	(tm) =	ssettm $0x1  }
0x91: {  	s18 =	sld [smem:$0x3FFB];
	_ =	sdelay $0x3  }
0x92: {  	_ =	strace s18  }
0x93: {  	s2 =	sld [smem:$0x3FFC];
	_ =	sdelay $0x3  }
0x94: {  	_ =	strace s2  }
0x95: {  	s2 =	sld [smem:$0x3FFD];
	_ =	sdelay $0x3  }
0x96: {  	_ =	strace s2  }
0x97: {  	_ =	strace $0x8FFFFFFF  }
0x98: {  	s19 =	sld [smem:$0x3FDB];
	_ =	sdelay $0x1  }
0x99: {  	s20 =	simm.s32 $_scs_section_size  }
0x9a: {  	s4 =	simm.s32 $_size__tile_overlayer_lowered;
	s5 =	simm.s32 $_tile_overlayer_lowered  }
0x9b: {  	s6 =	simm.s32 $0x1BFF;
	s21 =	sshll.u32 s5, $0x1;
	s3 =	sadd.s32 s20, s19  }
0x9c: {  	s22 =	simm.s32 $0x0;
	s4 =	sshll.u32 s4, $0x1;
	s5 =	sadd.s32 s21, s3  }
0x9d: {  	[timem:s22], [sflag:s6] =	dma.local [hbm:s5], s4  }
0x9e: {  	_ =	swait.ge [sflag:s6], s4  }
0x9f: {  	s4 =	ssub.s32 $0x0, s4;
	[sflag:s6] =	ssyncset.done $0x0  }
0xa0: {  	[sflag:s6] =	ssyncadd.s32 s4;
	_ =	sdelay $0x1  }
0xa1: {  	s23 =	simm.s32 $0x1B8B  }
0xa2: {  	_ =	swait.ge [sflag:s23], $0x1  }
0xa3: {  	[sflag:s23] =	ssyncset.done $0x0  }
0xa4: {  	[sflag:s23] =	ssyncadd.s32 $0xFFFFFFFF  }
0xa5: {  	s4 =	sld [smem:$0x0]  }
0xa6: {  	s5 =	sand.u32 $0xFFFFFFFE, s1  }
0xa7: {  	p0 =	sne.s32 s1, s5  }
0xa8: {  	s5 =	sshll.u32 @p0 s5, $0xE  }
0xa9: {  	s5 =	sadd.s32 @p0 $0x11B8D, s5;
	s6 =	sshll.u32 @p0 s4, $0x11  }
0xaa: {  	s5 =	sor.u32 @p0 s6, s5  }
0xab: {  	[sflag:s5] =	ssyncadd.remote.s32 @p0 $0x1;
	_ =	sdelay $0x1  }
0xac: {  	s5 =	simm.s32 @p0 $0x1B8D  }
0xad: {  	_ =	swait.eq @p0 [sflag:s5], $0x1  }
0xae: {  	[sflag:s5] =	ssyncadd.s32 @p0 $0xFFFFFFFF  }
0xaf: {  	s6 =	sshll.u32 @!p0 s1, $0xE  }
0xb0: {  	s6 =	sor.u32 @!p0 $0x4000, s6;
	s5 =	simm.s32 @!p0 $0x1B8D  }
0xb1: {  	s4 =	sshll.u32 @!p0 s4, $0x11;
	s6 =	sadd.s32 @!p0 $0x11B8D, s6;
	_ =	swait.eq @!p0 [sflag:s5], $0x1  }
0xb2: {  	s4 =	sor.u32 @!p0 s4, s6;
	[sflag:s5] =	ssyncadd.s32 @!p0 $0xFFFFFFFF  }
0xb3: {  	s25 =	simm.s32 $0x1B8E;
	s24 =	sld [smem:$0x3FFE];
	[sflag:s4] =	ssyncadd.remote.s32 @!p0 $0x1  }
0xb4: {  	s26 =	simm.s32 $execute0_lowered;
	[smem:$0x3FD2] =	sst s25  }
0xb5: {  	s5 =	sshll.u32 s26, $0x1;
	_ =	strace $0x8000004C;
	[dreg:$0x1] =	wrdreg $0xFFFFFFFF  }
0xb6: {  	s28 =	simm.s32 $_size_execute0_lowered;
	s3 =	sadd.s32 s3, s5;
	[dreg:$0x0] =	wrdreg $0x0  }
0xb7: {  	s5 =	sshll.u32 s28, $0x1;
	[dreg:$0x2] =	wrdreg s3  }
0xb8: {  	[dreg:$0x3] =	wrdreg s5  }
0xb9: {  	[dreg:$0x4] =	wrdreg $0xC0  }
0xba: {  	_ =	task [dreg:s22], $0x5FFFF  }
0xbb: {  	[dreg:$0x1] =	wrdreg $0xFFFFFFFF  }
0xbc: {  	[dreg:$0x0] =	wrdreg $0x60  }
0xbd: {  	[dreg:$0x2] =	wrdreg s24  }
0xbe: {  	[dreg:$0x3] =	wrdreg $0x9  }
0xbf: {  	_ =	task.clear_ibuf [dreg:s22], $0x4FFFF;
	_ =	strace $0x9000004C  }
0xc0: {  	s29 =	simm.s32 $0x9;
	_ =	strace $0x8000004E  }
0xc1: {  	_ =	swait.ge [sflag:s29], $0x1  }
0xc2: {  	[sflag:s29] =	ssyncadd.s32 $0xFFFFFFFF  }
0xc3: {  	_ =	strace $0x9000004E  }
0xc4: {  	_ =	sfence  }
0xc5: {  	s30 =	sld [smem:$0x0];
	_ =	sdelay $0x2  }
0xc6: {  	s31 =	sshll.u32 s1, $0xD;
	s1 =	sshrl.u32 s1, $0x2  }
0xc7: {  	s4 =	sand.u32 $0x4000, s31;
	s1 =	sadd.s32 s1, s30  }
0xc8: {  	s0 =	sor.u32 s4, s0;
	s1 =	sshll.u32 s1, $0x11  }
0xc9: {  	s0 =	sor.u32 s1, s0  }
0xca: {  	s0 =	sadd.s32 $0x8F2B, s0  }
0xcb: {  	[sflag:s0] =	ssyncadd.remote.s32 $0x1  }
0xcc: {  	_ =	sfence.sel $0xFFFF  }
0xcd: {  	[dreg:$0x0] =	wrdreg $0xFFFFFFFF;
	(pc) =	sbr.abs _section_cstart, $3  }
0xce: {  	[dreg:$0x1] =	wrdreg $0xFFFFFFFF  }
0xcf: {  	_ =	task.clear_ibuf [dreg:s22], $0x2FFFF;
	_ =	strace $0x9FFFFFFF  }
0xd0: {  	(tm) =	ssettm $0x7FFFFFFF  }
0xd1: {  	_ =	shalt  }
tec
execute0_lowered:
.L_overlay_start_1:
0x0: {  	(tag) =	ssettag $0x1  }
0x1: {  	s2 =	rddreg [dreg:$0x0]  }
0x2: {  	s0 =	rddreg [dreg:$0x1]  }
0x3: {  	s1 =	srdreg.scid;
	_ =	strace $0x8000004D;
	s4 =	simm.s32 $0x1  }
0x4: {  	s9 =	simm.s32 $0x3;
	s12 =	simm.s32 $0x0;
	s5 =	sshll.u32 s1, $0x4  }
.Ltmp0:
0x5: {  	s1 =	stileid.u32;
	s5 =	sand.u32 $0x10, s5;
	(pc) =	sbr.rel .LBB2_1-.Ltmp0, $4  }
0x6: {  	s10 =	simm.s32 $0x0;
	s3 =	sadd.s32 $0x753800, s2;
	s6 =	sor.u32 s1, s5  }
0x7: {  	[sflag:s4] =	ssyncpa.u1 $0x0;
	s5 =	simm.s32 $0x2;
	s6 =	sshll.u32 s6, $0x8  }
0x8: {  	s7 =	sadd.s32 $0x138800, s2;
	[sflag:s5] =	ssyncpa.u1 $0x0;
	s8 =	sadd.s32 $0x100, s6  }
0x9: {  	vm0 =	vmmov $0xff;
	vm1 =	vcmask $0x3F20;
	[sflag:s9] =	ssyncpa.u1 $0x0;
	s9 =	simm.s32 $0x100;
	s11 =	smov.u32 s6  }
.LBB2_9:
0xa: {  	p0 =	seq.s32 s10, $0x2  }
.Ltmp1:
0xb: {  	_ = 	snop;
	(pc) =	sbr.rel @p0 .LBB2_11-.Ltmp1, $1  }
0xc: {  	_ =	sdelay $0x3  }
.LBB2_10:
0xd: {  	s12 =	sadd.s32 $0x100, s11  }
0xe: {  	s13 =	smov.u32 s6;
	p0 =	slt.s32 s12, s8  }
0xf: {  	s13 =	smov.u32 @p0 s12  }
0x10: {  	s10 =	sadd.s32 $0x1, s10;
	s12 =	smov.u32 s11;
	s11 =	smov.u32 s13  }
.LBB2_1:
0x11: {  	p0 =	sne.s32 s10, $0x0  }
.Ltmp2:
0x12: {  	_ = 	snop;
	(pc) =	sbr.rel @!p0 .LBB2_2-.Ltmp2, $1  }
0x13: {  	_ =	sdelay $0x3  }
0x14: {  	s13 =	sand.u32 $0x1, s10  }
0x15: {  	p0 =	seq.s32 s13, $0x0  }
.Ltmp3:
0x16: {  	_ = 	snop;
	(pc) =	sbr.rel @p0 .LBB2_9-.Ltmp3, $1  }
0x17: {  	_ =	sdelay $0x3  }
0x18: {  	_ =	swait.ge [sflag:s5], $0x100  }
0x19: {  	[sflag:s5] =	ssyncset.done $0x0  }
0x1a: {  	s13 =	simm.s32 $0x0;
	[sflag:s5] =	ssyncadd.s32 $0xFFFFFF00  }
0x1b: {  	v0 =	vld.msk [tilespmem:s13+$0x100 ss:$0x1], $0xffff;
	_ =	sdelay $0x4  }
0x1c: {  	v1 =	vand.u32 $0x3, v0;
	v2 =	vshll.u32 v0, $0x5  }
0x1d: {  	vm2 =	veq.s32 v0, $0x80000000;
	v0 =	vmul.u32 $0x271000, v1;
	v1 =	vand.u32 $0x3FFF80, v2  }
0x1e: {  	v1 =	vsel vm2, $0xFFFFFF80, v1  }
0x1f: {  	v0 =	vsel vm2, $0xFFD8F000, v0;
	v2 =	vand.u32 $0xFFFFFC00, v1  }
0x20: {  	v1 =	vand.u32 $0x380, v1;
	v0 =	vadd.s32 v0, v2  }
0x21: {  	v0 =	vor.u32 v1, v0  }
0x22: {  	v0 =	vshrl.u32 v0, $0x3;
	_ =	sdelay $0x3  }
0x23: {  	s13 =	simm.s32 $0x8200  }
0x24: {  	[tilespmem:s13], [sflag:$0x1] =	stream.indirect_vreg.gather [hbm:s2], $0x80, v0, vm0, $0x38;
	[tilespmem:$0x10200] =	vst v63  }
0x25: {  	s14 =	simm.s32 $0x8600;
	s31 =	simm.s32 $0x10  }
0x26: {  	[tilespmem:s14], [sflag:$0x1] =	stream.indirect_vreg.gather [hbm:s2], $0x80, v0, vm1, $0x38;
	[tilespmem:$0x10200] =	vst v63  }
0x27: {  	s14 =	simm.s32 $0x80;
	v0 =	vld.msk [tilespmem:s31+$0x100 ss:$0x1], $0xffff  }
.LBB2_5:
0x28: {  	p0 =	sne.s32 s14, $0x3C0;
	_ =	sdelay $0x4  }
0x29: {  	v1 =	vand.u32 $0x3, v0;
	v2 =	vshll.u32 v0, $0x5  }
0x2a: {  	vm2 =	veq.s32 v0, $0x80000000;
	v0 =	vmul.u32 $0x271000, v1;
	v1 =	vand.u32 $0x3FFF80, v2  }
0x2b: {  	v1 =	vsel vm2, $0xFFFFFF80, v1  }
0x2c: {  	v0 =	vsel vm2, $0xFFD8F000, v0;
	v2 =	vand.u32 $0xFFFFFC00, v1  }
0x2d: {  	v1 =	vand.u32 $0x380, v1;
	v0 =	vadd.s32 v0, v2  }
0x2e: {  	v0 =	vor.u32 v1, v0  }
0x2f: {  	v0 =	vshrl.u32 v0, $0x3;
	_ =	sdelay $0x3  }
.Ltmp4:
0x30: {  	s13 =	sadd.s32 $0x800, s13;
	(pc) =	sbr.rel @p0 .LBB2_5-.Ltmp4, $4  }
0x31: {  	[tilespmem:s13], [sflag:$0x1] =	stream.indirect_vreg.gather [hbm:s2], $0x80, v0, vm0, $0x38;
	[tilespmem:$0x10200] =	vst v63  }
0x32: {  	s15 =	sshra.s32 s14, $0x2;
	s16 =	sadd.s32 $0x400, s13  }
0x33: {  	[tilespmem:s16], [sflag:$0x1] =	stream.indirect_vreg.gather [hbm:s2], $0x80, v0, vm1, $0x38;
	[tilespmem:$0x10200] =	vst v63  }
0x34: {  	s14 =	sadd.s32 $0x40, s14;
	v0 =	vld.msk [tilespmem:s15+$0x100 ss:$0x1], $0xffff  }
0x35: {  	_ =	sdelay $0x3  }
0x36: {  	v1 =	vand.u32 $0x3, v0;
	v2 =	vshll.u32 v0, $0x5  }
0x37: {  	vm2 =	veq.s32 v0, $0x80000000;
	v61 =	vmul.u32 $0x271000, v1;
	v62 =	vand.u32 $0x3FFF80, v2  }
0x38: {  	v1 =	vsel vm2, $0xFFFFFF80, v62  }
0x39: {  	v0 =	vsel vm2, $0xFFD8F000, v61;
	v63 =	vand.u32 $0xFFFFFC00, v1  }
0x3a: {  	v1 =	vand.u32 $0x380, v1;
	v0 =	vadd.s32 v0, v63  }
0x3b: {  	v0 =	vor.u32 v1, v0  }
0x3c: {  	v0 =	vshrl.u32 v0, $0x3;
	_ =	sdelay $0x3  }
0x3d: {  	s13 =	sadd.s32 $0x800, s13  }
0x3e: {  	[tilespmem:s13], [sflag:$0x1] =	stream.indirect_vreg.gather [hbm:s2], $0x80, v0, vm0, $0x38;
	[tilespmem:$0x10200] =	vst v63  }
0x3f: {  	s13 =	sadd.s32 $0x400, s13  }
0x40: {  	[tilespmem:s13], [sflag:$0x1] =	stream.indirect_vreg.gather [hbm:s2], $0x80, v0, vm1, $0x38;
	[tilespmem:$0x10200] =	vst v63  }
0x41: {  	s12 =	sshll.u32 s12, $0x4;
	s14 =	simm.s32 $0x80;
	_ =	swait.ge [sflag:s4], $0x8000  }
0x42: {  	s15 =	simm.s32 $0x8600;
	s12 =	sadd.s32 s12, s7;
	[sflag:s4] =	ssyncset.done $0x0  }
0x43: {  	s16 =	sadd.s32 $0x0, s12;
	s13 =	simm.s32 $0x8200;
	[sflag:s4] =	ssyncadd.s32 $0xFFFF8000  }
.LBB2_7:
0x44: {  	[hbm:s16] =	stream.linear.scatter [tilespmem:s13], [sflag:$0x3], $0x400, $0x38;
	[tilespmem:$0x10200] =	vst v63  }
0x45: {  	s16 =	smov.u32 s14;
	s13 =	smov.u32 s15;
	p0 =	sne.s32 s14, $0xF80  }
.Ltmp5:
0x46: {  	s14 =	sadd.s32 $0x80, s14;
	(pc) =	sbr.rel @p0 .LBB2_7-.Ltmp5, $2  }
0x47: {  	_ =	sdelay $0x2  }
0x48: {  	s15 =	sadd.s32 $0x400, s15;
	s16 =	sadd.s32 s16, s12  }
.Ltmp6:
0x49: {  	(pc) =	sbr.rel .LBB2_9-.Ltmp6, $2  }
0x4a: {  	_ =	sdelay $0x2  }
0x4b: {  	[hbm:s16] =	stream.linear.scatter [tilespmem:s13], [sflag:$0x3], $0x400, $0x38;
	[tilespmem:$0x10200] =	vst v63  }
.LBB2_2:
.Ltmp7:
0x4c: {  	(pc) =	sbr.rel .LBB2_10-.Ltmp7, $4  }
0x4d: {  	_ = 	snop  }
0x4e: {  	s12 =	sshrl.u32 s11, $0x3  }
0x4f: {  	s13 =	sand.u32 $0x7, s11;
	s12 =	sadd.s32 s3, s12  }
0x50: {  	[tilespmem:s9], [sflag:$0x2] =	stream.linear.gather [hbm4b:s12+s13], $0x100, $0x38;
	[tilespmem:$0x10200] =	vst v63  }
.LBB2_11:
0x51: {  	s2 =	simm.s32 $0x3  }
0x52: {  	_ =	swait.ge [sflag:s2], $0x8000  }
0x53: {  	[sflag:s2] =	ssyncset.done $0x0  }
0x54: {  	[sflag:s2] =	ssyncadd.s32 $0xFFFF8000  }
0x55: {  	_ =	sfence.sel $0x180000  }
0x56: {  	s3 =	simm.s32 $0x2;
	[bflag:$0x0] =	sbarrier.arrive $0xFFFF  }
0x57: {  	[sflag:s3] =	ssyncpa.u1 $0x1  }
0x58: {  	s31 =	simm.s32 $0x1;
	[sflag:s2] =	ssyncpa.u1 $0x1  }
0x59: {  	[sflag:s31] =	ssyncpa.u1 $0x1  }
0x5a: {  	p0 =	sne.s32 s1, $0x0;
	_ =	strace $0x9000004D  }
0x5b: {  	s0 =	sadd.s32 @!p0 $0x100000, s0;
	[bflag:$0x2] =	sbarrier.arrive $0xFFFF  }
0x5c: {  	[sflag:s0] =	ssyncadd.tile.s32 @!p0 $0x1;
	_ =	shalt  }
.Lfunc_end2:
_tile_overlayer_lowered:
.L_overlay_start_2:
0x5d: {  	(tag) =	ssettag $0x2  }
0x5e: {  	s0 =	rddreg [dreg:$0x0];
	s2 =	stileid.u32  }
0x5f: {  	s1 =	rddreg [dreg:$0x1];
	p0 =	sne.s32 s2, $0x0  }
0x60: {  	s3 =	rddreg [dreg:$0x2];
	[bflag:$0x3] =	sbarrier.arrive $0xFFFF;
	s2 =	simm.s32 @!p0 $0x1C01  }
0x61: {  	[timem:s3], [sflag:s2] =	dma.local @!p0 [hbm:s0], s1  }
0x62: {  	s0 =	simm.s32 @!p0 $0x1  }
0x63: {  	_ =	swait.ge @!p0 [sflag:s0], s1  }
0x64: {  	s1 =	ssub.s32 @!p0 $0x0, s1;
	[sflag:s0] =	ssyncset.done @!p0 $0x0  }
0x65: {  	[sflag:s0] =	ssyncadd.s32 @!p0 s1  }
0x66: {  	[bflag:$0x3] =	sbarrier.arrive $0xFFFF  }
0x67: {  	_ =	shalt  }

// kernel: gather_offload_async_start.2
scs
__scs_entry_jumppad:
0x0: {  	(pc) =	sbr.rel $0x88, $3  }
0x1: {  	(tag) =	ssettag $0x0;
	lr =	simm.s32 $0x1  }
0x2: {  	[smem:$0x3F9D] =	sst lr;
	_ =	strace $0xD0000000  }
0x3: {  	_ = 	snop  }
0x4: {  	_ = 	snop  }
0x5: {  	_ = 	snop  }
0x6: {  	_ = 	snop  }
0x7: {  	_ = 	snop  }
__scs_overlays_trampoline_lowered:
0x8: {  	[smem:$0x3FAC] =	sst s0  }
0x9: {  	[smem:$0x3FAD] =	sst s1  }
0xa: {  	[smem:$0x3FAE] =	sst s2  }
0xb: {  	[smem:$0x3FAF] =	sst s3  }
0xc: {  	[smem:$0x3FB0] =	sst s4  }
0xd: {  	[smem:$0x3FB1] =	sst s5  }
0xe: {  	[smem:$0x3FB2] =	sst s6  }
0xf: {  	[smem:$0x3FB3] =	sst s7  }
0x10: {  	[smem:$0x3FB4] =	sst s8  }
0x11: {  	[smem:$0x3FB5] =	sst s9;
	s0 =	simm.s32 @!p0 $0x0  }
0x12: {  	s1 =	sld [smem:$0x3F9B];
	s0 =	simm.s32 @p0 $0x1  }
0x13: {  	[smem:$0x3FB6] =	sst s0;
	s0 =	simm.s32 @!p1 $0x0  }
0x14: {  	s2 =	sld [smem:$0x3F9A];
	s0 =	simm.s32 @p1 $0x1  }
0x15: {  	[smem:$0x3FB7] =	sst s0;
	s0 =	simm.s32 @!p2 $0x0  }
0x16: {  	s3 =	sld [smem:$0x3FDB];
	s0 =	simm.s32 @p2 $0x1  }
0x17: {  	s4 =	simm.s32 $0x1BF5;
	[smem:$0x3FB9] =	sst s0  }
0x18: {  	s0 =	sld [smem:$0x3F9C];
	_ =	swait.ge [sflag:s4], $0x0  }
0x19: {  	s7 =	sld [smem:$0x3F9D]  }
0x1a: {  	s8 =	sadd.s32 $0xFFFFE003, lr  }
0x1b: {  	s9 =	sadd.s32 $0xFFFFFEF7, lr;
	s5 =	simm.s32 $0xFFFFFFFF;
	p2 =	slt.u32 s8, $0xFFFFF086  }
0x1c: {  	p1 =	slt.u32 s9, $0xF7A;
	s5 =	simm.s32 @!p2 $0x0  }
0x1d: {  	s5 =	simm.s32 @p1 $0x1;
	p0 =	seq.s32 s7, s2  }
0x1e: {  	s7 =	smul.u32 @!p0 $0xF7A, s2;
	p2 =	seq.s32 @!p0 s5, $0x0  }
0x1f: {  	s9 =	smul.u32 $0xF7A, s1;
	s8 =	simm.s32 @!p0 $0x1BF5;
	p2 =	por !p2, p0  }
0x20: {  	[sflag:s8] =	ssyncset.s32 @!p0 $0xFFFFF086;
	s6 =	sadd.s32 @!p0 s3, s7;
	s7 =	simm.s32 @!p0 $0x108  }
0x21: {  	s3 =	sadd.s32 s3, s9;
	s6 =	sadd.s32 @!p0 $0x88, s6;
	s7 =	simm.s32 @p2 $0x1082  }
0x22: {  	[simem:s7], [sflag:s8] =	dma.local @!p0 [hbm:s6], $0xF7A  }
0x23: {  	s9 =	sor.u32 $0xD0000000, s2;
	s6 =	simm.s32 $0x108;
	_ =	swait.ge @!p0 [sflag:s8], $0x0  }
0x24: {  	s3 =	sadd.s32 $0x88, s3;
	s6 =	simm.s32 @!p1 $0x1082;
	[sflag:s4] =	ssyncset.s32 $0xFFFFF086  }
0x25: {  	[simem:s6], [sflag:s4] =	dma.local [hbm:s3], $0xF7A  }
0x26: {  	[smem:$0x3F9D] =	sst s1;
	(tag) =	ssettag s2;
	_ =	strace s9  }
0x27: {  	s1 =	sld [smem:$0x3FAD]  }
0x28: {  	s2 =	sld [smem:$0x3FAE]  }
0x29: {  	s4 =	sld [smem:$0x3FB0]  }
0x2a: {  	p0 =	seq.s32 s5, $0x0;
	s5 =	sld [smem:$0x3FB1]  }
0x2b: {  	s6 =	sld [smem:$0x3FB2]  }
0x2c: {  	s7 =	sld [smem:$0x3FB3]  }
0x2d: {  	s3 =	simm.s32 $0x108;
	s8 =	sld [smem:$0x3FB4]  }
0x2e: {  	s3 =	simm.s32 @!p0 $0x1082;
	s9 =	sld [smem:$0x3FB5]  }
0x2f: {  	lr =	sadd.s32 s0, s3;
	s0 =	sld [smem:$0x3FAC]  }
0x30: {  	s3 =	sld [smem:$0x3FAF]  }
0x31: {  	[smem:$0x3FB8] =	sst s10  }
0x32: {  	s10 =	sld [smem:$0x3FB6];
	_ =	sdelay $0x3  }
0x33: {  	p0 =	seq.s32 s10, $0x1;
	s10 =	sld [smem:$0x3FB8];
	_ =	sdelay $0x3  }
0x34: {  	[smem:$0x3FB8] =	sst s10  }
0x35: {  	s10 =	sld [smem:$0x3FB7];
	_ =	sdelay $0x3  }
0x36: {  	p1 =	seq.s32 s10, $0x1;
	s10 =	sld [smem:$0x3FB8];
	_ =	sdelay $0x3  }
0x37: {  	[smem:$0x3FB8] =	sst s10  }
0x38: {  	s10 =	sld [smem:$0x3FB9]  }
0x39: {  	_ = 	snop;
	(pc) =	sbr.ind lr, $3  }
0x3a: {  	_ = 	snop  }
0x3b: {  	_ = 	snop  }
0x3c: {  	p2 =	seq.s32 s10, $0x1;
	s10 =	sld [smem:$0x3FB8]  }
0x3d: {  	_ =	shalt  }
0x3e: {  	_ =	shalt  }
0x3f: {  	_ =	shalt  }
0x40: {  	_ =	shalt  }
0x41: {  	_ =	shalt  }
0x42: {  	_ =	shalt  }
0x43: {  	_ =	shalt  }
0x44: {  	_ =	shalt  }
0x45: {  	_ =	shalt  }
0x46: {  	_ =	shalt  }
0x47: {  	_ =	shalt  }
0x48: {  	_ =	shalt  }
0x49: {  	_ =	shalt  }
0x4a: {  	_ =	shalt  }
0x4b: {  	_ =	shalt  }
0x4c: {  	_ =	shalt  }
0x4d: {  	_ =	shalt  }
0x4e: {  	_ =	shalt  }
0x4f: {  	_ =	shalt  }
0x50: {  	_ =	shalt  }
0x51: {  	_ =	shalt  }
0x52: {  	_ =	shalt  }
0x53: {  	_ =	shalt  }
0x54: {  	_ =	shalt  }
0x55: {  	_ =	shalt  }
0x56: {  	_ =	shalt  }
0x57: {  	_ =	shalt  }
0x58: {  	_ =	shalt  }
0x59: {  	_ =	shalt  }
0x5a: {  	_ =	shalt  }
0x5b: {  	_ =	shalt  }
0x5c: {  	_ =	shalt  }
0x5d: {  	_ =	shalt  }
0x5e: {  	_ =	shalt  }
0x5f: {  	_ =	shalt  }
0x60: {  	_ =	shalt  }
0x61: {  	_ =	shalt  }
0x62: {  	_ =	shalt  }
0x63: {  	_ =	shalt  }
0x64: {  	_ =	shalt  }
0x65: {  	_ =	shalt  }
0x66: {  	_ =	shalt  }
0x67: {  	_ =	shalt  }
0x68: {  	_ =	shalt  }
0x69: {  	_ =	shalt  }
0x6a: {  	_ =	shalt  }
0x6b: {  	_ =	shalt  }
0x6c: {  	_ =	shalt  }
0x6d: {  	_ =	shalt  }
0x6e: {  	_ =	shalt  }
0x6f: {  	_ =	shalt  }
0x70: {  	_ =	shalt  }
0x71: {  	_ =	shalt  }
0x72: {  	_ =	shalt  }
0x73: {  	_ =	shalt  }
0x74: {  	_ =	shalt  }
0x75: {  	_ =	shalt  }
0x76: {  	_ =	shalt  }
0x77: {  	_ =	shalt  }
0x78: {  	_ =	shalt  }
0x79: {  	_ =	shalt  }
0x7a: {  	_ =	shalt  }
0x7b: {  	_ =	shalt  }
0x7c: {  	_ =	shalt  }
0x7d: {  	_ =	shalt  }
0x7e: {  	_ =	shalt  }
0x7f: {  	_ =	shalt  }
0x80: {  	_ =	shalt  }
0x81: {  	_ =	shalt  }
0x82: {  	_ =	shalt  }
0x83: {  	_ =	shalt  }
0x84: {  	_ =	shalt  }
0x85: {  	_ =	shalt  }
0x86: {  	_ =	shalt  }
0x87: {  	_ =	shalt  }
.Lfunc_end0:
.L_simem_size_0:
called_computation.3_lowered:
.L_overlay_start_0:
0x88: {  	s2 =	sld [smem:$0x3FD9]  }
0x89: {  	s3 =	sld [smem:$0x3FFE];
	_ =	sdelay $0x1  }
0x8a: {  	s1 =	srdreg.scid  }
0x8b: {  	s0 =	sand.u32 $0x1, s1  }
0x8c: {  	s16 =	sshll.u32 s0, $0xA;
	s2 =	sadd.s32 s3, s2  }
0x8d: {  	s2 =	sadd.s32 s2, s16  }
0x8e: {  	[smem:$0x3FC4] =	sst s2  }
0x8f: {  	_ = 	snop  }
0x90: {  	(tm) =	ssettm $0x1  }
0x91: {  	s17 =	sld [smem:$0x3FFB];
	_ =	sdelay $0x3  }
0x92: {  	_ =	strace s17  }
0x93: {  	s2 =	sld [smem:$0x3FFC];
	_ =	sdelay $0x3  }
0x94: {  	_ =	strace s2  }
0x95: {  	s2 =	sld [smem:$0x3FFD];
	_ =	sdelay $0x3  }
0x96: {  	_ =	strace s2  }
0x97: {  	_ =	strace $0x8FFFFFFF  }
0x98: {  	s18 =	sld [smem:$0x3FDB];
	_ =	sdelay $0x1  }
0x99: {  	s19 =	simm.s32 $_scs_section_size  }
0x9a: {  	s4 =	simm.s32 $_size__tile_overlayer_lowered;
	s5 =	simm.s32 $_tile_overlayer_lowered  }
0x9b: {  	s22 =	simm.s32 $0x1BFF;
	s21 =	sshll.u32 s5, $0x1;
	s2 =	sadd.s32 s19, s18  }
0x9c: {  	s6 =	simm.s32 $0x0;
	s20 =	sshll.u32 s4, $0x1;
	s4 =	sadd.s32 s21, s2  }
0x9d: {  	[timem:s6], [sflag:s22] =	dma.local [hbm:s4], s20  }
0x9e: {  	_ =	swait.ge [sflag:s22], s20  }
0x9f: {  	s3 =	ssub.s32 $0x0, s20;
	[sflag:s22] =	ssyncset.done $0x0  }
0xa0: {  	[sflag:s22] =	ssyncadd.s32 s3;
	_ =	sdelay $0x1  }
0xa1: {  	s23 =	simm.s32 $0x1B8B  }
0xa2: {  	_ =	swait.ge [sflag:s23], $0x1  }
0xa3: {  	[sflag:s23] =	ssyncset.done $0x0  }
0xa4: {  	s25 =	simm.s32 $0x1B8E;
	s24 =	sld [smem:$0x3FFE];
	[sflag:s23] =	ssyncadd.s32 $0xFFFFFFFF  }
0xa5: {  	s26 =	simm.s32 $execute0_lowered;
	[smem:$0x3FD2] =	sst s25  }
0xa6: {  	s4 =	sshll.u32 s26, $0x1;
	_ =	strace $0x80000049;
	[dreg:$0x1] =	wrdreg $0xFFFFFFFF  }
0xa7: {  	s28 =	simm.s32 $_size_execute0_lowered;
	s2 =	sadd.s32 s2, s4;
	[dreg:$0x0] =	wrdreg $0x0  }
0xa8: {  	s4 =	sshll.u32 s28, $0x1;
	[dreg:$0x2] =	wrdreg s2  }
0xa9: {  	[dreg:$0x3] =	wrdreg s4  }
0xaa: {  	[dreg:$0x4] =	wrdreg $0xC0  }
0xab: {  	_ =	task [dreg:s6], $0x5FFFF  }
0xac: {  	[dreg:$0x1] =	wrdreg $0xFFFFFFFF  }
0xad: {  	[dreg:$0x0] =	wrdreg $0x60  }
0xae: {  	[dreg:$0x2] =	wrdreg s24  }
0xaf: {  	[dreg:$0x3] =	wrdreg $0xA  }
0xb0: {  	_ =	task.clear_ibuf [dreg:s6], $0x4FFFF;
	_ =	strace $0x90000049  }
0xb1: {  	s29 =	simm.s32 $0xA;
	_ =	strace $0x8000004B  }
0xb2: {  	_ =	swait.ge [sflag:s29], $0x1  }
0xb3: {  	[sflag:s29] =	ssyncadd.s32 $0xFFFFFFFF  }
0xb4: {  	_ =	strace $0x9000004B  }
0xb5: {  	_ =	sfence  }
0xb6: {  	s30 =	sld [smem:$0x0];
	_ =	sdelay $0x2  }
0xb7: {  	s31 =	sshll.u32 s1, $0xD;
	s1 =	sshrl.u32 s1, $0x2  }
0xb8: {  	s3 =	sand.u32 $0x4000, s31;
	s1 =	sadd.s32 s1, s30  }
0xb9: {  	s0 =	sor.u32 s3, s0;
	s1 =	sshll.u32 s1, $0x11  }
0xba: {  	s0 =	sor.u32 s1, s0  }
0xbb: {  	s0 =	sadd.s32 $0x8F2B, s0  }
0xbc: {  	[sflag:s0] =	ssyncadd.remote.s32 $0x1  }
0xbd: {  	_ =	sfence.sel $0xFFFF  }
0xbe: {  	[dreg:$0x0] =	wrdreg $0xFFFFFFFF;
	(pc) =	sbr.abs _section_cstart, $3  }
0xbf: {  	[dreg:$0x1] =	wrdreg $0xFFFFFFFF  }
0xc0: {  	_ =	task.clear_ibuf [dreg:s6], $0x2FFFF;
	_ =	strace $0x9FFFFFFF  }
0xc1: {  	(tm) =	ssettm $0x7FFFFFFF  }
tec
execute0_lowered:
.L_overlay_start_1:
0x0: {  	(tag) =	ssettag $0x1  }
0x1: {  	s1 =	srdreg.scid  }
0x2: {  	s0 =	stileid.u32;
	s6 =	rddreg [dreg:$0x0]  }
0x3: {  	s5 =	simm.s32 $0x2;
	s10 =	simm.s32 $0x3;
	s1 =	sshll.u32 s1, $0x8  }
0x4: {  	s12 =	simm.s32 $0x0;
	s2 =	sshll.u32 s0, $0x9;
	s3 =	sand.u32 $0x100, s1  }
0x5: {  	s11 =	simm.s32 $0x0;
	s1 =	rddreg [dreg:$0x1];
	s2 =	sor.u32 s2, s3  }
0x6: {  	_ =	strace $0x8000004A;
	s3 =	sadd.s32 $0x793000, s6;
	s4 =	sshrl.u32 s2, $0x3  }
0x7: {  	s7 =	ssub.s32 $0x2000, s2;
	s8 =	sadd.s32 s4, s6;
	s4 =	simm.s32 $0x1  }
.Ltmp0:
0x8: {  	s9 =	sand.u32 $0x1F00, s7;
	s7 =	sshrl.u32 s7, $0xD;
	(pc) =	sbr.rel .LBB2_1-.Ltmp0, $4  }
0x9: {  	s6 =	sadd.s32 $0x753E00, s6;
	p0 =	sne.s32 s9, $0x0;
	s9 =	simm.s32 $0x1  }
0xa: {  	[sflag:s4] =	ssyncpa.u1 $0x0;
	s8 =	sadd.s32 $0x753000, s8;
	s9 =	simm.s32 @!p0 $0x0  }
0xb: {  	[sflag:s5] =	ssyncpa.u1 $0x0;
	p0 =	por $0x0, $0x0;
	s7 =	sadd.s32 s9, s7  }
0xc: {  	vm0 =	vmmov $0xffff;
	[sflag:s10] =	ssyncpa.u1 $0x0;
	s10 =	simm.s32 $0x0;
	s9 =	sadd.s32 $0x1, s7  }
.LBB2_4:
0xd: {  	_ =	sdelay $0x3  }
0xe: {  	[tilespmem:s17], [sflag:$0x1] =	stream.indirect_vreg.gather [hbm4b:s3+s10], $0x1, v0, vm0, $0x4038;
	[tilespmem:$0x1200] =	vst v63  }
0xf: {  	s14 =	sshll.u32 s12, $0x3  }
0x10: {  	s31 =	sand.u32 $0x78, s12;
	s14 =	sand.u32 $0x7FFFFC00, s14  }
0x11: {  	_ =	swait.ge [sflag:s4], $0x800;
	s12 =	sor.u32 s31, s14  }
0x12: {  	[sflag:s4] =	ssyncset.done $0x0;
	s12 =	sshrl.u32 s12, $0x3  }
0x13: {  	[sflag:s4] =	ssyncadd.s32 $0xFFFFF800;
	s12 =	sadd.s32 s6, s12  }
0x14: {  	[hbm:s12] =	stream.linear.scatter [tilespmem:s13], [sflag:$0x3], $0x800, $0x38;
	[tilespmem:$0x1200] =	vst v63  }
.LBB2_5:
0x15: {  	p2 =	sne.s32 s11, s9  }
.Ltmp1:
0x16: {  	p1 =	slt.u32 s11, $0x2;
	(pc) =	sbr.rel @!p2 .LBB2_6-.Ltmp1, $4  }
0x17: {  	s12 =	simm.s32 @!p1 $0x3  }
0x18: {  	_ =	swait.ge @!p1 [sflag:s12], $0x800  }
0x19: {  	s13 =	sadd.s32 $0x1, s11;
	p0 =	por !p0, !p0;
	[sflag:s12] =	ssyncset.done @!p1 $0x0  }
0x1a: {  	s11 =	smov.u32 s13;
	[sflag:s12] =	ssyncadd.s32 @!p1 $0xFFFFF800;
	s12 =	smov.u32 s2  }
.LBB2_1:
0x1b: {  	p1 =	sge.u32 s11, s7  }
0x1c: {  	s13 =	sxor.u32 @!p1 $0xFFFFFFFF, s11  }
0x1d: {  	s13 =	sshll.u32 @!p1 s13, $0x8  }
0x1e: {  	s31 =	sadd.s32 $0xFFFFFFFF, s11;
	s14 =	simm.s32 @!p1 $0x0;
	s13 =	sand.u32 @!p1 $0x100, s13  }
0x1f: {  	[tilespmem:s13], [sflag:$0x2] =	stream.linear.gather @!p1 [hbm4b:s8+s14], $0x100, $0x38;
	[tilespmem:$0x1200] =	vst v63  }
0x20: {  	p1 =	sge.u32 s31, s7  }
.Ltmp2:
0x21: {  	_ = 	snop;
	(pc) =	sbr.rel @p1 .LBB2_5-.Ltmp2, $1  }
0x22: {  	_ =	sdelay $0x3  }
0x23: {  	s13 =	simm.s32 $0x1;
	_ =	swait.ge [sflag:s5], $0x100  }
0x24: {  	s13 =	simm.s32 @!p0 $0x0;
	[sflag:s5] =	ssyncset.done $0x0  }
0x25: {  	s15 =	sshll.u32 s13, $0x8;
	[sflag:s5] =	ssyncadd.s32 $0xFFFFFF00  }
0x26: {  	v0 =	vld.msk [tilespmem:s15+$0x0 ss:$0x1], $0xffff;
	_ =	sdelay $0x4  }
0x27: {  	v1 =	vshrl.u32 v0, $0x2  }
0x28: {  	v2 =	vand.u32 $0x3, v0;
	vm1 =	veq.s32 v0, $0x80000000;
	v0 =	vand.u32 $0x7FFFF, v1  }
0x29: {  	v1 =	vmul.u32 $0x2BF400, v2;
	v0 =	vsel vm1, $0xFFFFFFFF, v0  }
0x2a: {  	v2 =	vshll.u32 v0, $0x3  }
0x2b: {  	v1 =	vsel vm1, $0xFFD40C00, v1;
	v2 =	vand.u32 $0xFFFFFC00, v2  }
0x2c: {  	v0 =	vand.u32 $0x7F, v0;
	v1 =	vadd.s32 v1, v2  }
0x2d: {  	s26 =	sand.u32 $0x1, s11;
	v0 =	vor.u32 v0, v1  }
0x2e: {  	s16 =	simm.s32 $0x0;
	s13 =	sshll.u32 s26, $0xB  }
0x2f: {  	s14 =	sand.u32 $0x400, s16;
	s13 =	sor.u32 $0x200, s13  }
0x30: {  	s17 =	sand.u32 $0x70, s16;
	(ifvalue) =	ssetifvalue $0x7FFFFFFF;
	s14 =	sadd.s32 s14, s13;
	v1 =	vor.u32 $0x80, v0  }
0x31: {  	(ifvalue) =	ssetifvalue $0x7FFFFFFF;
	s17 =	sadd.s32 s17, s14  }
0x32: {  	[tilespmem:s17], [sflag:$0x1] =	stream.indirect_vreg.gather [hbm4b:s3+s10], $0x1, v0, vm0, $0x4038;
	[tilespmem:$0x1200] =	vst v63  }
0x33: {  	v2 =	vor.u32 $0x100, v0;
	(ifvalue) =	ssetifvalue $0x7FFFFFFF  }
0x34: {  	s14 =	sadd.s32 $0x80, s17;
	(ifvalue) =	ssetifvalue $0x7FFFFFFF  }
0x35: {  	[tilespmem:s14], [sflag:$0x1] =	stream.indirect_vreg.gather [hbm4b:s3+s10], $0x1, v1, vm0, $0x4038;
	[tilespmem:$0x1200] =	vst v63  }
0x36: {  	v1 =	vor.u32 $0x180, v0;
	(ifvalue) =	ssetifvalue $0x7FFFFFFF  }
0x37: {  	s28 =	sadd.s32 $0x100, s17;
	(ifvalue) =	ssetifvalue $0x7FFFFFFF  }
0x38: {  	[tilespmem:s28], [sflag:$0x1] =	stream.indirect_vreg.gather [hbm4b:s3+s10], $0x1, v2, vm0, $0x4038;
	[tilespmem:$0x1200] =	vst v63  }
0x39: {  	v2 =	vor.u32 $0x200, v0;
	(ifvalue) =	ssetifvalue $0x7FFFFFFF  }
0x3a: {  	s29 =	sadd.s32 $0x180, s17;
	(ifvalue) =	ssetifvalue $0x7FFFFFFF  }
0x3b: {  	[tilespmem:s29], [sflag:$0x1] =	stream.indirect_vreg.gather [hbm4b:s3+s10], $0x1, v1, vm0, $0x4038;
	[tilespmem:$0x1200] =	vst v63  }
0x3c: {  	(ifvalue) =	ssetifvalue $0x7FFFFFFF;
	v1 =	vor.u32 $0x280, v0  }
0x3d: {  	s30 =	sadd.s32 $0x200, s17;
	(ifvalue) =	ssetifvalue $0x7FFFFFFF  }
0x3e: {  	[tilespmem:s30], [sflag:$0x1] =	stream.indirect_vreg.gather [hbm4b:s3+s10], $0x1, v2, vm0, $0x4038;
	[tilespmem:$0x1200] =	vst v63  }
0x3f: {  	(ifvalue) =	ssetifvalue $0x7FFFFFFF;
	v2 =	vor.u32 $0x300, v0  }
0x40: {  	s31 =	sadd.s32 $0x280, s17;
	(ifvalue) =	ssetifvalue $0x7FFFFFFF  }
0x41: {  	[tilespmem:s31], [sflag:$0x1] =	stream.indirect_vreg.gather [hbm4b:s3+s10], $0x1, v1, vm0, $0x4038;
	[tilespmem:$0x1200] =	vst v63  }
0x42: {  	s16 =	sor.u32 s16, s16;
	v0 =	vor.u32 $0x380, v0;
	(ifvalue) =	ssetifvalue $0x7FFFFFFF  }
0x43: {  	s16 =	sor.u32 $0x380, s16;
	s17 =	sadd.s32 $0x300, s17;
	(ifvalue) =	ssetifvalue $0x7FFFFFFF  }
0x44: {  	[tilespmem:s17], [sflag:$0x1] =	stream.indirect_vreg.gather [hbm4b:s3+s10], $0x1, v2, vm0, $0x4038;
	[tilespmem:$0x1200] =	vst v63  }
0x45: {  	s15 =	sadd.s32 $0x10, s15;
	s14 =	simm.s32 $0x10;
	(ifvalue) =	ssetifvalue $0x7FFFFFFF  }
0x46: {  	s17 =	sadd.s32 s16, s13;
	s16 =	simm.s32 $0x80;
	(ifvalue) =	ssetifvalue $0x7FFFFFFF  }
.LBB2_3:
0x47: {  	[tilespmem:s17], [sflag:$0x1] =	stream.indirect_vreg.gather [hbm4b:s3+s10], $0x1, v0, vm0, $0x4038;
	[tilespmem:$0x1200] =	vst v63  }
0x48: {  	p1 =	sne.s32 s14, $0xF0;
	s17 =	smov.u32 s14;
	s14 =	sadd.s32 $0x10, s14;
	v0 =	vld.msk [tilespmem:s15+$0x0 ss:$0x1], $0xffff  }
0x49: {  	(ifvalue) =	ssetifvalue $0x7FFFFFFF;
	_ =	sdelay $0x4  }
0x4a: {  	v1 =	vand.u32 $0x3, v0;
	v2 =	vshrl.u32 v0, $0x2  }
0x4b: {  	vm1 =	veq.s32 v0, $0x80000000;
	v0 =	vand.u32 $0x7FFFF, v2;
	v1 =	vmul.u32 $0x2BF400, v1  }
0x4c: {  	v0 =	vsel vm1, $0xFFFFFFFF, v0  }
0x4d: {  	v1 =	vsel vm1, $0xFFD40C00, v1;
	v2 =	vshll.u32 v0, $0x3  }
0x4e: {  	v2 =	vand.u32 $0xFFFFFC00, v2  }
0x4f: {  	v0 =	vand.u32 $0x7F, v0;
	v1 =	vadd.s32 v1, v2  }
0x50: {  	v0 =	vor.u32 v0, v1;
	_ =	sdelay $0x1  }
0x51: {  	s18 =	sand.u32 $0x400, s16  }
0x52: {  	s19 =	sand.u32 $0x70, s17;
	s18 =	sadd.s32 s18, s13;
	v1 =	vor.u32 $0x80, v0  }
0x53: {  	s18 =	sadd.s32 s19, s18;
	(ifvalue) =	ssetifvalue $0x7FFFFFFF  }
0x54: {  	[tilespmem:s18], [sflag:$0x1] =	stream.indirect_vreg.gather [hbm4b:s3+s10], $0x1, v0, vm0, $0x4038;
	[tilespmem:$0x1200] =	vst v63  }
0x55: {  	v2 =	vor.u32 $0x100, v0;
	(ifvalue) =	ssetifvalue $0x7FFFFFFF  }
0x56: {  	s19 =	sadd.s32 $0x80, s18;
	(ifvalue) =	ssetifvalue $0x7FFFFFFF  }
0x57: {  	[tilespmem:s19], [sflag:$0x1] =	stream.indirect_vreg.gather [hbm4b:s3+s10], $0x1, v1, vm0, $0x4038;
	[tilespmem:$0x1200] =	vst v63  }
0x58: {  	v1 =	vor.u32 $0x180, v0;
	(ifvalue) =	ssetifvalue $0x7FFFFFFF  }
0x59: {  	s19 =	sadd.s32 $0x100, s18;
	(ifvalue) =	ssetifvalue $0x7FFFFFFF  }
0x5a: {  	[tilespmem:s19], [sflag:$0x1] =	stream.indirect_vreg.gather [hbm4b:s3+s10], $0x1, v2, vm0, $0x4038;
	[tilespmem:$0x1200] =	vst v63  }
0x5b: {  	v2 =	vor.u32 $0x200, v0;
	(ifvalue) =	ssetifvalue $0x7FFFFFFF  }
0x5c: {  	s19 =	sadd.s32 $0x180, s18;
	(ifvalue) =	ssetifvalue $0x7FFFFFFF  }
0x5d: {  	[tilespmem:s19], [sflag:$0x1] =	stream.indirect_vreg.gather [hbm4b:s3+s10], $0x1, v1, vm0, $0x4038;
	[tilespmem:$0x1200] =	vst v63  }
0x5e: {  	v1 =	vor.u32 $0x280, v0;
	(ifvalue) =	ssetifvalue $0x7FFFFFFF  }
0x5f: {  	s19 =	sadd.s32 $0x200, s18;
	(ifvalue) =	ssetifvalue $0x7FFFFFFF  }
0x60: {  	[tilespmem:s19], [sflag:$0x1] =	stream.indirect_vreg.gather [hbm4b:s3+s10], $0x1, v2, vm0, $0x4038;
	[tilespmem:$0x1200] =	vst v63  }
0x61: {  	v2 =	vor.u32 $0x300, v0;
	(ifvalue) =	ssetifvalue $0x7FFFFFFF  }
0x62: {  	s19 =	sadd.s32 $0x280, s18;
	(ifvalue) =	ssetifvalue $0x7FFFFFFF  }
0x63: {  	[tilespmem:s19], [sflag:$0x1] =	stream.indirect_vreg.gather [hbm4b:s3+s10], $0x1, v1, vm0, $0x4038;
	[tilespmem:$0x1200] =	vst v63  }
.Ltmp3:
0x64: {  	v0 =	vor.u32 $0x380, v0;
	(ifvalue) =	ssetifvalue $0x7FFFFFFF;
	(pc) =	sbr.rel @p1 .LBB2_3-.Ltmp3, $4  }
0x65: {  	s17 =	sor.u32 s16, s17;
	s18 =	sadd.s32 $0x300, s18;
	(ifvalue) =	ssetifvalue $0x7FFFFFFF  }
0x66: {  	[tilespmem:s18], [sflag:$0x1] =	stream.indirect_vreg.gather [hbm4b:s3+s10], $0x1, v2, vm0, $0x4038;
	[tilespmem:$0x1200] =	vst v63  }
0x67: {  	s15 =	sadd.s32 $0x10, s15;
	s17 =	sor.u32 $0x380, s17;
	(ifvalue) =	ssetifvalue $0x7FFFFFFF  }
0x68: {  	s16 =	sadd.s32 $0x80, s16;
	s17 =	sadd.s32 s17, s13;
	(ifvalue) =	ssetifvalue $0x7FFFFFFF  }
.Ltmp4:
0x69: {  	_ = 	snop;
	(pc) =	sbr.rel .LBB2_4-.Ltmp4, $1  }
0x6a: {  	_ =	sdelay $0x3  }
.LBB2_6:
0x6b: {  	_ =	sfence.sel $0x180000  }
0x6c: {  	s2 =	simm.s32 $0x2;
	[bflag:$0x0] =	sbarrier.arrive $0xFFFF  }
0x6d: {  	s30 =	simm.s32 $0x3;
	[sflag:s2] =	ssyncpa.u1 $0x1  }
0x6e: {  	s31 =	simm.s32 $0x1;
	[sflag:s30] =	ssyncpa.u1 $0x1  }
0x6f: {  	[sflag:s31] =	ssyncpa.u1 $0x1  }
0x70: {  	p0 =	sne.s32 s0, $0x0;
	_ =	strace $0x9000004A  }
0x71: {  	s0 =	sadd.s32 @!p0 $0x100000, s1;
	[bflag:$0x2] =	sbarrier.arrive $0xFFFF  }
0x72: {  	[sflag:s0] =	ssyncadd.tile.s32 @!p0 $0x1;
	_ =	shalt  }
.Lfunc_end2:
_tile_overlayer_lowered:
.L_overlay_start_2:
0x73: {  	(tag) =	ssettag $0x2  }
0x74: {  	s0 =	rddreg [dreg:$0x0];
	s2 =	stileid.u32  }
0x75: {  	s1 =	rddreg [dreg:$0x1];
	p0 =	sne.s32 s2, $0x0  }
0x76: {  	s3 =	rddreg [dreg:$0x2];
	[bflag:$0x3] =	sbarrier.arrive $0xFFFF;
	s2 =	simm.s32 @!p0 $0x1C01  }
0x77: {  	[timem:s3], [sflag:s2] =	dma.local @!p0 [hbm:s0], s1  }
0x78: {  	s0 =	simm.s32 @!p0 $0x1  }
0x79: {  	_ =	swait.ge @!p0 [sflag:s0], s1  }
0x7a: {  	s1 =	ssub.s32 @!p0 $0x0, s1;
	[sflag:s0] =	ssyncset.done @!p0 $0x0  }
0x7b: {  	[sflag:s0] =	ssyncadd.s32 @!p0 s1  }
0x7c: {  	[bflag:$0x3] =	sbarrier.arrive $0xFFFF  }
0x7d: {  	_ =	shalt  }

// kernel: gather_offload_async_start
scs
__scs_entry_jumppad:
0x0: {  	(pc) =	sbr.rel $0x88, $3  }
0x1: {  	(tag) =	ssettag $0x0;
	lr =	simm.s32 $0x1  }
0x2: {  	[smem:$0x3F9D] =	sst lr;
	_ =	strace $0xD0000000  }
0x3: {  	_ = 	snop  }
0x4: {  	_ = 	snop  }
0x5: {  	_ = 	snop  }
0x6: {  	_ = 	snop  }
0x7: {  	_ = 	snop  }
__scs_overlays_trampoline_lowered:
0x8: {  	[smem:$0x3FAC] =	sst s0  }
0x9: {  	[smem:$0x3FAD] =	sst s1  }
0xa: {  	[smem:$0x3FAE] =	sst s2  }
0xb: {  	[smem:$0x3FAF] =	sst s3  }
0xc: {  	[smem:$0x3FB0] =	sst s4  }
0xd: {  	[smem:$0x3FB1] =	sst s5  }
0xe: {  	[smem:$0x3FB2] =	sst s6  }
0xf: {  	[smem:$0x3FB3] =	sst s7  }
0x10: {  	[smem:$0x3FB4] =	sst s8  }
0x11: {  	[smem:$0x3FB5] =	sst s9;
	s0 =	simm.s32 @!p0 $0x0  }
0x12: {  	s1 =	sld [smem:$0x3F9B];
	s0 =	simm.s32 @p0 $0x1  }
0x13: {  	[smem:$0x3FB6] =	sst s0;
	s0 =	simm.s32 @!p1 $0x0  }
0x14: {  	s2 =	sld [smem:$0x3F9A];
	s0 =	simm.s32 @p1 $0x1  }
0x15: {  	[smem:$0x3FB7] =	sst s0;
	s0 =	simm.s32 @!p2 $0x0  }
0x16: {  	s3 =	sld [smem:$0x3FDB];
	s0 =	simm.s32 @p2 $0x1  }
0x17: {  	s4 =	simm.s32 $0x1BF5;
	[smem:$0x3FB9] =	sst s0  }
0x18: {  	s0 =	sld [smem:$0x3F9C];
	_ =	swait.ge [sflag:s4], $0x0  }
0x19: {  	s7 =	sld [smem:$0x3F9D]  }
0x1a: {  	s8 =	sadd.s32 $0xFFFFE003, lr  }
0x1b: {  	s9 =	sadd.s32 $0xFFFFFEF7, lr;
	s5 =	simm.s32 $0xFFFFFFFF;
	p2 =	slt.u32 s8, $0xFFFFF086  }
0x1c: {  	p1 =	slt.u32 s9, $0xF7A;
	s5 =	simm.s32 @!p2 $0x0  }
0x1d: {  	s5 =	simm.s32 @p1 $0x1;
	p0 =	seq.s32 s7, s2  }
0x1e: {  	s7 =	smul.u32 @!p0 $0xF7A, s2;
	p2 =	seq.s32 @!p0 s5, $0x0  }
0x1f: {  	s9 =	smul.u32 $0xF7A, s1;
	s8 =	simm.s32 @!p0 $0x1BF5;
	p2 =	por !p2, p0  }
0x20: {  	[sflag:s8] =	ssyncset.s32 @!p0 $0xFFFFF086;
	s6 =	sadd.s32 @!p0 s3, s7;
	s7 =	simm.s32 @!p0 $0x108  }
0x21: {  	s3 =	sadd.s32 s3, s9;
	s6 =	sadd.s32 @!p0 $0x88, s6;
	s7 =	simm.s32 @p2 $0x1082  }
0x22: {  	[simem:s7], [sflag:s8] =	dma.local @!p0 [hbm:s6], $0xF7A  }
0x23: {  	s9 =	sor.u32 $0xD0000000, s2;
	s6 =	simm.s32 $0x108;
	_ =	swait.ge @!p0 [sflag:s8], $0x0  }
0x24: {  	s3 =	sadd.s32 $0x88, s3;
	s6 =	simm.s32 @!p1 $0x1082;
	[sflag:s4] =	ssyncset.s32 $0xFFFFF086  }
0x25: {  	[simem:s6], [sflag:s4] =	dma.local [hbm:s3], $0xF7A  }
0x26: {  	[smem:$0x3F9D] =	sst s1;
	(tag) =	ssettag s2;
	_ =	strace s9  }
0x27: {  	s1 =	sld [smem:$0x3FAD]  }
0x28: {  	s2 =	sld [smem:$0x3FAE]  }
0x29: {  	s4 =	sld [smem:$0x3FB0]  }
0x2a: {  	p0 =	seq.s32 s5, $0x0;
	s5 =	sld [smem:$0x3FB1]  }
0x2b: {  	s6 =	sld [smem:$0x3FB2]  }
0x2c: {  	s7 =	sld [smem:$0x3FB3]  }
0x2d: {  	s3 =	simm.s32 $0x108;
	s8 =	sld [smem:$0x3FB4]  }
0x2e: {  	s3 =	simm.s32 @!p0 $0x1082;
	s9 =	sld [smem:$0x3FB5]  }
0x2f: {  	lr =	sadd.s32 s0, s3;
	s0 =	sld [smem:$0x3FAC]  }
0x30: {  	s3 =	sld [smem:$0x3FAF]  }
0x31: {  	[smem:$0x3FB8] =	sst s10  }
0x32: {  	s10 =	sld [smem:$0x3FB6];
	_ =	sdelay $0x3  }
0x33: {  	p0 =	seq.s32 s10, $0x1;
	s10 =	sld [smem:$0x3FB8];
	_ =	sdelay $0x3  }
0x34: {  	[smem:$0x3FB8] =	sst s10  }
0x35: {  	s10 =	sld [smem:$0x3FB7];
	_ =	sdelay $0x3  }
0x36: {  	p1 =	seq.s32 s10, $0x1;
	s10 =	sld [smem:$0x3FB8];
	_ =	sdelay $0x3  }
0x37: {  	[smem:$0x3FB8] =	sst s10  }
0x38: {  	s10 =	sld [smem:$0x3FB9]  }
0x39: {  	_ = 	snop;
	(pc) =	sbr.ind lr, $3  }
0x3a: {  	_ = 	snop  }
0x3b: {  	_ = 	snop  }
0x3c: {  	p2 =	seq.s32 s10, $0x1;
	s10 =	sld [smem:$0x3FB8]  }
0x3d: {  	_ =	shalt  }
0x3e: {  	_ =	shalt  }
0x3f: {  	_ =	shalt  }
0x40: {  	_ =	shalt  }
0x41: {  	_ =	shalt  }
0x42: {  	_ =	shalt  }
0x43: {  	_ =	shalt  }
0x44: {  	_ =	shalt  }
0x45: {  	_ =	shalt  }
0x46: {  	_ =	shalt  }
0x47: {  	_ =	shalt  }
0x48: {  	_ =	shalt  }
0x49: {  	_ =	shalt  }
0x4a: {  	_ =	shalt  }
0x4b: {  	_ =	shalt  }
0x4c: {  	_ =	shalt  }
0x4d: {  	_ =	shalt  }
0x4e: {  	_ =	shalt  }
0x4f: {  	_ =	shalt  }
0x50: {  	_ =	shalt  }
0x51: {  	_ =	shalt  }
0x52: {  	_ =	shalt  }
0x53: {  	_ =	shalt  }
0x54: {  	_ =	shalt  }
0x55: {  	_ =	shalt  }
0x56: {  	_ =	shalt  }
0x57: {  	_ =	shalt  }
0x58: {  	_ =	shalt  }
0x59: {  	_ =	shalt  }
0x5a: {  	_ =	shalt  }
0x5b: {  	_ =	shalt  }
0x5c: {  	_ =	shalt  }
0x5d: {  	_ =	shalt  }
0x5e: {  	_ =	shalt  }
0x5f: {  	_ =	shalt  }
0x60: {  	_ =	shalt  }
0x61: {  	_ =	shalt  }
0x62: {  	_ =	shalt  }
0x63: {  	_ =	shalt  }
0x64: {  	_ =	shalt  }
0x65: {  	_ =	shalt  }
0x66: {  	_ =	shalt  }
0x67: {  	_ =	shalt  }
0x68: {  	_ =	shalt  }
0x69: {  	_ =	shalt  }
0x6a: {  	_ =	shalt  }
0x6b: {  	_ =	shalt  }
0x6c: {  	_ =	shalt  }
0x6d: {  	_ =	shalt  }
0x6e: {  	_ =	shalt  }
0x6f: {  	_ =	shalt  }
0x70: {  	_ =	shalt  }
0x71: {  	_ =	shalt  }
0x72: {  	_ =	shalt  }
0x73: {  	_ =	shalt  }
0x74: {  	_ =	shalt  }
0x75: {  	_ =	shalt  }
0x76: {  	_ =	shalt  }
0x77: {  	_ =	shalt  }
0x78: {  	_ =	shalt  }
0x79: {  	_ =	shalt  }
0x7a: {  	_ =	shalt  }
0x7b: {  	_ =	shalt  }
0x7c: {  	_ =	shalt  }
0x7d: {  	_ =	shalt  }
0x7e: {  	_ =	shalt  }
0x7f: {  	_ =	shalt  }
0x80: {  	_ =	shalt  }
0x81: {  	_ =	shalt  }
0x82: {  	_ =	shalt  }
0x83: {  	_ =	shalt  }
0x84: {  	_ =	shalt  }
0x85: {  	_ =	shalt  }
0x86: {  	_ =	shalt  }
0x87: {  	_ =	shalt  }
.Lfunc_end0:
.L_simem_size_0:
called_computation.1_lowered:
.L_overlay_start_0:
0x88: {  	s2 =	sld [smem:$0x3FD9]  }
0x89: {  	s3 =	sld [smem:$0x3FFE];
	_ =	sdelay $0x1  }
0x8a: {  	s1 =	srdreg.scid  }
0x8b: {  	s0 =	sand.u32 $0x1, s1  }
0x8c: {  	s17 =	sshll.u32 s0, $0xA;
	s2 =	sadd.s32 s3, s2  }
0x8d: {  	s2 =	sadd.s32 s2, s17  }
0x8e: {  	[smem:$0x3FC4] =	sst s2  }
0x8f: {  	_ = 	snop  }
0x90: {  	(tm) =	ssettm $0x1  }
0x91: {  	s18 =	sld [smem:$0x3FFB];
	_ =	sdelay $0x3  }
0x92: {  	_ =	strace s18  }
0x93: {  	s2 =	sld [smem:$0x3FFC];
	_ =	sdelay $0x3  }
0x94: {  	_ =	strace s2  }
0x95: {  	s2 =	sld [smem:$0x3FFD];
	_ =	sdelay $0x3  }
0x96: {  	_ =	strace s2  }
0x97: {  	_ =	strace $0x8FFFFFFF  }
0x98: {  	s19 =	sld [smem:$0x3FDB];
	_ =	sdelay $0x1  }
0x99: {  	s20 =	simm.s32 $_scs_section_size  }
0x9a: {  	s4 =	simm.s32 $_size__tile_overlayer_lowered;
	s5 =	simm.s32 $_tile_overlayer_lowered  }
0x9b: {  	s6 =	simm.s32 $0x1BFF;
	s21 =	sshll.u32 s5, $0x1;
	s3 =	sadd.s32 s20, s19  }
0x9c: {  	s22 =	simm.s32 $0x0;
	s4 =	sshll.u32 s4, $0x1;
	s5 =	sadd.s32 s21, s3  }
0x9d: {  	[timem:s22], [sflag:s6] =	dma.local [hbm:s5], s4  }
0x9e: {  	_ =	swait.ge [sflag:s6], s4  }
0x9f: {  	s4 =	ssub.s32 $0x0, s4;
	[sflag:s6] =	ssyncset.done $0x0  }
0xa0: {  	[sflag:s6] =	ssyncadd.s32 s4;
	_ =	sdelay $0x1  }
0xa1: {  	s23 =	simm.s32 $0x1B8B  }
0xa2: {  	_ =	swait.ge [sflag:s23], $0x1  }
0xa3: {  	[sflag:s23] =	ssyncset.done $0x0  }
0xa4: {  	[sflag:s23] =	ssyncadd.s32 $0xFFFFFFFF  }
0xa5: {  	s4 =	sld [smem:$0x0]  }
0xa6: {  	s5 =	sand.u32 $0xFFFFFFFE, s1  }
0xa7: {  	p0 =	sne.s32 s1, s5  }
0xa8: {  	s5 =	sshll.u32 @p0 s5, $0xE  }
0xa9: {  	s5 =	sadd.s32 @p0 $0x11B8D, s5;
	s6 =	sshll.u32 @p0 s4, $0x11  }
0xaa: {  	s5 =	sor.u32 @p0 s6, s5  }
0xab: {  	[sflag:s5] =	ssyncadd.remote.s32 @p0 $0x1;
	_ =	sdelay $0x1  }
0xac: {  	s5 =	simm.s32 @p0 $0x1B8D  }
0xad: {  	_ =	swait.eq @p0 [sflag:s5], $0x1  }
0xae: {  	[sflag:s5] =	ssyncadd.s32 @p0 $0xFFFFFFFF  }
0xaf: {  	s6 =	sshll.u32 @!p0 s1, $0xE  }
0xb0: {  	s6 =	sor.u32 @!p0 $0x4000, s6;
	s5 =	simm.s32 @!p0 $0x1B8D  }
0xb1: {  	s4 =	sshll.u32 @!p0 s4, $0x11;
	s6 =	sadd.s32 @!p0 $0x11B8D, s6;
	_ =	swait.eq @!p0 [sflag:s5], $0x1  }
0xb2: {  	s4 =	sor.u32 @!p0 s4, s6;
	[sflag:s5] =	ssyncadd.s32 @!p0 $0xFFFFFFFF  }
0xb3: {  	s25 =	simm.s32 $0x1B8E;
	s24 =	sld [smem:$0x3FFE];
	[sflag:s4] =	ssyncadd.remote.s32 @!p0 $0x1  }
0xb4: {  	s26 =	simm.s32 $execute0_lowered;
	[smem:$0x3FD2] =	sst s25  }
0xb5: {  	s5 =	sshll.u32 s26, $0x1;
	_ =	strace $0x8000004F;
	[dreg:$0x1] =	wrdreg $0xFFFFFFFF  }
0xb6: {  	s28 =	simm.s32 $_size_execute0_lowered;
	s3 =	sadd.s32 s3, s5;
	[dreg:$0x0] =	wrdreg $0x0  }
0xb7: {  	s5 =	sshll.u32 s28, $0x1;
	[dreg:$0x2] =	wrdreg s3  }
0xb8: {  	[dreg:$0x3] =	wrdreg s5  }
0xb9: {  	[dreg:$0x4] =	wrdreg $0xC0  }
0xba: {  	_ =	task [dreg:s22], $0x5FFFF  }
0xbb: {  	[dreg:$0x1] =	wrdreg $0xFFFFFFFF  }
0xbc: {  	[dreg:$0x0] =	wrdreg $0x60  }
0xbd: {  	[dreg:$0x2] =	wrdreg s24  }
0xbe: {  	[dreg:$0x3] =	wrdreg $0xA  }
0xbf: {  	_ =	task.clear_ibuf [dreg:s22], $0x4FFFF;
	_ =	strace $0x9000004F  }
0xc0: {  	s29 =	simm.s32 $0xA;
	_ =	strace $0x80000051  }
0xc1: {  	_ =	swait.ge [sflag:s29], $0x1  }
0xc2: {  	[sflag:s29] =	ssyncadd.s32 $0xFFFFFFFF  }
0xc3: {  	_ =	strace $0x90000051  }
0xc4: {  	_ =	sfence  }
0xc5: {  	s30 =	sld [smem:$0x0];
	_ =	sdelay $0x2  }
0xc6: {  	s31 =	sshll.u32 s1, $0xD;
	s1 =	sshrl.u32 s1, $0x2  }
0xc7: {  	s4 =	sand.u32 $0x4000, s31;
	s1 =	sadd.s32 s1, s30  }
0xc8: {  	s0 =	sor.u32 s4, s0;
	s1 =	sshll.u32 s1, $0x11  }
0xc9: {  	s0 =	sor.u32 s1, s0  }
0xca: {  	s0 =	sadd.s32 $0x8F2B, s0  }
0xcb: {  	[sflag:s0] =	ssyncadd.remote.s32 $0x1  }
0xcc: {  	_ =	sfence.sel $0xFFFF  }
0xcd: {  	[dreg:$0x0] =	wrdreg $0xFFFFFFFF;
	(pc) =	sbr.abs _section_cstart, $3  }
0xce: {  	[dreg:$0x1] =	wrdreg $0xFFFFFFFF  }
0xcf: {  	_ =	task.clear_ibuf [dreg:s22], $0x2FFFF;
	_ =	strace $0x9FFFFFFF  }
0xd0: {  	(tm) =	ssettm $0x7FFFFFFF  }
0xd1: {  	_ =	shalt  }
tec
execute0_lowered:
.L_overlay_start_1:
0x0: {  	(tag) =	ssettag $0x1  }
0x1: {  	s7 =	rddreg [dreg:$0x0]  }
0x2: {  	s0 =	rddreg [dreg:$0x1];
	_ =	strace $0x80000050  }
0x3: {  	s1 =	srdreg.scid;
	s4 =	simm.s32 $0x1;
	s9 =	simm.s32 $0x3  }
0x4: {  	s12 =	simm.s32 $0x0;
	s10 =	simm.s32 $0x0;
	s5 =	sshll.u32 s1, $0x4  }
.Ltmp0:
0x5: {  	s1 =	stileid.u32;
	s5 =	sand.u32 $0x10, s5;
	(pc) =	sbr.rel .LBB2_1-.Ltmp0, $4  }
0x6: {  	s2 =	sadd.s32 $0x158800, s7;
	s3 =	sadd.s32 $0x753800, s7;
	s6 =	sor.u32 s1, s5  }
0x7: {  	[sflag:s4] =	ssyncpa.u1 $0x0;
	s5 =	simm.s32 $0x2;
	s6 =	sshll.u32 s6, $0x8  }
0x8: {  	s7 =	sadd.s32 $0x291000, s7;
	[sflag:s5] =	ssyncpa.u1 $0x0;
	s8 =	sadd.s32 $0x100, s6  }
0x9: {  	vm0 =	vmmov $0xff;
	vm1 =	vcmask $0x3F20;
	[sflag:s9] =	ssyncpa.u1 $0x0;
	s9 =	simm.s32 $0x100;
	s11 =	smov.u32 s6  }
.LBB2_9:
0xa: {  	p0 =	seq.s32 s10, $0x2  }
.Ltmp1:
0xb: {  	_ = 	snop;
	(pc) =	sbr.rel @p0 .LBB2_11-.Ltmp1, $1  }
0xc: {  	_ =	sdelay $0x3  }
.LBB2_10:
0xd: {  	s12 =	sadd.s32 $0x100, s11  }
0xe: {  	s13 =	smov.u32 s6;
	p0 =	slt.s32 s12, s8  }
0xf: {  	s13 =	smov.u32 @p0 s12  }
0x10: {  	s10 =	sadd.s32 $0x1, s10;
	s12 =	smov.u32 s11;
	s11 =	smov.u32 s13  }
.LBB2_1:
0x11: {  	p0 =	sne.s32 s10, $0x0  }
.Ltmp2:
0x12: {  	_ = 	snop;
	(pc) =	sbr.rel @!p0 .LBB2_2-.Ltmp2, $1  }
0x13: {  	_ =	sdelay $0x3  }
0x14: {  	s13 =	sand.u32 $0x1, s10  }
0x15: {  	p0 =	seq.s32 s13, $0x0  }
.Ltmp3:
0x16: {  	_ = 	snop;
	(pc) =	sbr.rel @p0 .LBB2_9-.Ltmp3, $1  }
0x17: {  	_ =	sdelay $0x3  }
0x18: {  	_ =	swait.ge [sflag:s5], $0x100  }
0x19: {  	[sflag:s5] =	ssyncset.done $0x0  }
0x1a: {  	s13 =	simm.s32 $0x0;
	[sflag:s5] =	ssyncadd.s32 $0xFFFFFF00  }
0x1b: {  	v0 =	vld.msk [tilespmem:s13+$0x100 ss:$0x1], $0xffff;
	_ =	sdelay $0x4  }
0x1c: {  	v1 =	vand.u32 $0x3, v0;
	v2 =	vshll.u32 v0, $0x5  }
0x1d: {  	vm2 =	veq.s32 v0, $0x80000000;
	v0 =	vmul.u32 $0x271000, v1;
	v1 =	vand.u32 $0x3FFF80, v2  }
0x1e: {  	v1 =	vsel vm2, $0xFFFFFF80, v1  }
0x1f: {  	v0 =	vsel vm2, $0xFFD8F000, v0;
	v2 =	vand.u32 $0xFFFFFC00, v1  }
0x20: {  	v1 =	vand.u32 $0x380, v1;
	v0 =	vadd.s32 v0, v2  }
0x21: {  	v0 =	vor.u32 v1, v0  }
0x22: {  	v0 =	vshrl.u32 v0, $0x3;
	_ =	sdelay $0x3  }
0x23: {  	s13 =	simm.s32 $0x8200  }
0x24: {  	[tilespmem:s13], [sflag:$0x1] =	stream.indirect_vreg.gather [hbm:s2], $0x80, v0, vm0, $0x38;
	[tilespmem:$0x10200] =	vst v63  }
0x25: {  	s14 =	simm.s32 $0x8600;
	s31 =	simm.s32 $0x10  }
0x26: {  	[tilespmem:s14], [sflag:$0x1] =	stream.indirect_vreg.gather [hbm:s2], $0x80, v0, vm1, $0x38;
	[tilespmem:$0x10200] =	vst v63  }
0x27: {  	s14 =	simm.s32 $0x80;
	v0 =	vld.msk [tilespmem:s31+$0x100 ss:$0x1], $0xffff  }
.LBB2_5:
0x28: {  	p0 =	sne.s32 s14, $0x3C0;
	_ =	sdelay $0x4  }
0x29: {  	v1 =	vand.u32 $0x3, v0;
	v2 =	vshll.u32 v0, $0x5  }
0x2a: {  	vm2 =	veq.s32 v0, $0x80000000;
	v0 =	vmul.u32 $0x271000, v1;
	v1 =	vand.u32 $0x3FFF80, v2  }
0x2b: {  	v1 =	vsel vm2, $0xFFFFFF80, v1  }
0x2c: {  	v0 =	vsel vm2, $0xFFD8F000, v0;
	v2 =	vand.u32 $0xFFFFFC00, v1  }
0x2d: {  	v1 =	vand.u32 $0x380, v1;
	v0 =	vadd.s32 v0, v2  }
0x2e: {  	v0 =	vor.u32 v1, v0  }
0x2f: {  	v0 =	vshrl.u32 v0, $0x3;
	_ =	sdelay $0x3  }
.Ltmp4:
0x30: {  	s13 =	sadd.s32 $0x800, s13;
	(pc) =	sbr.rel @p0 .LBB2_5-.Ltmp4, $4  }
0x31: {  	[tilespmem:s13], [sflag:$0x1] =	stream.indirect_vreg.gather [hbm:s2], $0x80, v0, vm0, $0x38;
	[tilespmem:$0x10200] =	vst v63  }
0x32: {  	s15 =	sshra.s32 s14, $0x2;
	s16 =	sadd.s32 $0x400, s13  }
0x33: {  	[tilespmem:s16], [sflag:$0x1] =	stream.indirect_vreg.gather [hbm:s2], $0x80, v0, vm1, $0x38;
	[tilespmem:$0x10200] =	vst v63  }
0x34: {  	s14 =	sadd.s32 $0x40, s14;
	v0 =	vld.msk [tilespmem:s15+$0x100 ss:$0x1], $0xffff  }
0x35: {  	_ =	sdelay $0x3  }
0x36: {  	v1 =	vand.u32 $0x3, v0;
	v2 =	vshll.u32 v0, $0x5  }
0x37: {  	vm2 =	veq.s32 v0, $0x80000000;
	v61 =	vmul.u32 $0x271000, v1;
	v62 =	vand.u32 $0x3FFF80, v2  }
0x38: {  	v1 =	vsel vm2, $0xFFFFFF80, v62  }
0x39: {  	v0 =	vsel vm2, $0xFFD8F000, v61;
	v63 =	vand.u32 $0xFFFFFC00, v1  }
0x3a: {  	v1 =	vand.u32 $0x380, v1;
	v0 =	vadd.s32 v0, v63  }
0x3b: {  	v0 =	vor.u32 v1, v0  }
0x3c: {  	v0 =	vshrl.u32 v0, $0x3;
	_ =	sdelay $0x3  }
0x3d: {  	s13 =	sadd.s32 $0x800, s13  }
0x3e: {  	[tilespmem:s13], [sflag:$0x1] =	stream.indirect_vreg.gather [hbm:s2], $0x80, v0, vm0, $0x38;
	[tilespmem:$0x10200] =	vst v63  }
0x3f: {  	s13 =	sadd.s32 $0x400, s13  }
0x40: {  	[tilespmem:s13], [sflag:$0x1] =	stream.indirect_vreg.gather [hbm:s2], $0x80, v0, vm1, $0x38;
	[tilespmem:$0x10200] =	vst v63  }
0x41: {  	s12 =	sshll.u32 s12, $0x4;
	s14 =	simm.s32 $0x80;
	_ =	swait.ge [sflag:s4], $0x8000  }
0x42: {  	s15 =	simm.s32 $0x8600;
	s12 =	sadd.s32 s12, s7;
	[sflag:s4] =	ssyncset.done $0x0  }
0x43: {  	s16 =	sadd.s32 $0x0, s12;
	s13 =	simm.s32 $0x8200;
	[sflag:s4] =	ssyncadd.s32 $0xFFFF8000  }
.LBB2_7:
0x44: {  	[hbm:s16] =	stream.linear.scatter [tilespmem:s13], [sflag:$0x3], $0x400, $0x38;
	[tilespmem:$0x10200] =	vst v63  }
0x45: {  	s16 =	smov.u32 s14;
	s13 =	smov.u32 s15;
	p0 =	sne.s32 s14, $0xF80  }
.Ltmp5:
0x46: {  	s14 =	sadd.s32 $0x80, s14;
	(pc) =	sbr.rel @p0 .LBB2_7-.Ltmp5, $2  }
0x47: {  	_ =	sdelay $0x2  }
0x48: {  	s15 =	sadd.s32 $0x400, s15;
	s16 =	sadd.s32 s16, s12  }
.Ltmp6:
0x49: {  	(pc) =	sbr.rel .LBB2_9-.Ltmp6, $2  }
0x4a: {  	_ =	sdelay $0x2  }
0x4b: {  	[hbm:s16] =	stream.linear.scatter [tilespmem:s13], [sflag:$0x3], $0x400, $0x38;
	[tilespmem:$0x10200] =	vst v63  }
.LBB2_2:
.Ltmp7:
0x4c: {  	(pc) =	sbr.rel .LBB2_10-.Ltmp7, $4  }
0x4d: {  	_ = 	snop  }
0x4e: {  	s12 =	sshrl.u32 s11, $0x3  }
0x4f: {  	s13 =	sand.u32 $0x7, s11;
	s12 =	sadd.s32 s3, s12  }
0x50: {  	[tilespmem:s9], [sflag:$0x2] =	stream.linear.gather [hbm4b:s12+s13], $0x100, $0x38;
	[tilespmem:$0x10200] =	vst v63  }
.LBB2_11:
0x51: {  	s2 =	simm.s32 $0x3  }
0x52: {  	_ =	swait.ge [sflag:s2], $0x8000  }
0x53: {  	[sflag:s2] =	ssyncset.done $0x0  }
0x54: {  	[sflag:s2] =	ssyncadd.s32 $0xFFFF8000  }
0x55: {  	_ =	sfence.sel $0x180000  }
0x56: {  	s3 =	simm.s32 $0x2;
	[bflag:$0x0] =	sbarrier.arrive $0xFFFF  }
0x57: {  	[sflag:s3] =	ssyncpa.u1 $0x1  }
0x58: {  	s31 =	simm.s32 $0x1;
	[sflag:s2] =	ssyncpa.u1 $0x1  }
0x59: {  	[sflag:s31] =	ssyncpa.u1 $0x1  }
0x5a: {  	p0 =	sne.s32 s1, $0x0;
	_ =	strace $0x90000050  }
0x5b: {  	s0 =	sadd.s32 @!p0 $0x100000, s0;
	[bflag:$0x2] =	sbarrier.arrive $0xFFFF  }
0x5c: {  	[sflag:s0] =	ssyncadd.tile.s32 @!p0 $0x1;
	_ =	shalt  }
.Lfunc_end2:
_tile_overlayer_lowered:
.L_overlay_start_2:
0x5d: {  	(tag) =	ssettag $0x2  }
0x5e: {  	s0 =	rddreg [dreg:$0x0];
	s2 =	stileid.u32  }
0x5f: {  	s1 =	rddreg [dreg:$0x1];
	p0 =	sne.s32 s2, $0x0  }
0x60: {  	s3 =	rddreg [dreg:$0x2];
	[bflag:$0x3] =	sbarrier.arrive $0xFFFF;
	s2 =	simm.s32 @!p0 $0x1C01  }
0x61: {  	[timem:s3], [sflag:s2] =	dma.local @!p0 [hbm:s0], s1  }
0x62: {  	s0 =	simm.s32 @!p0 $0x1  }
0x63: {  	_ =	swait.ge @!p0 [sflag:s0], s1  }
0x64: {  	s1 =	ssub.s32 @!p0 $0x0, s1;
	[sflag:s0] =	ssyncset.done @!p0 $0x0  }
0x65: {  	[sflag:s0] =	ssyncadd.s32 @!p0 s1  }
0x66: {  	[bflag:$0x3] =	sbarrier.arrive $0xFFFF  }
0x67: {  	_ =	shalt  }

// kernel: sparse-core-data-format-call.cloned.1.call-start
scs
called_computation_lowered:
.L_overlay_start_0:
0x0: {  	s2 =	sld [smem:$0x3FD9]  }
0x1: {  	s3 =	sld [smem:$0x3FFE];
	_ =	sdelay $0x1  }
0x2: {  	s1 =	srdreg.scid  }
0x3: {  	s0 =	sand.u32 $0x1, s1  }
0x4: {  	s18 =	sshll.u32 s0, $0xA;
	s2 =	sadd.s32 s3, s2  }
0x5: {  	s2 =	sadd.s32 s2, s18  }
0x6: {  	[smem:$0x3FC4] =	sst s2  }
0x7: {  	_ = 	snop  }
0x8: {  	s2 =	sld [smem:$0x3FC8];
	(tm) =	ssettm $0x1  }
0x9: {  	s19 =	sld [smem:$0x3FFB];
	_ =	sdelay $0x3  }
0xa: {  	_ =	strace s19  }
0xb: {  	s3 =	sld [smem:$0x3FFC];
	_ =	sdelay $0x3  }
0xc: {  	_ =	strace s3  }
0xd: {  	s3 =	sld [smem:$0x3FFD];
	_ =	sdelay $0x3  }
0xe: {  	_ =	strace s3  }
0xf: {  	_ =	strace $0x8FFFFFFF  }
0x10: {  	s20 =	sld [smem:$0x3FDB];
	_ =	sdelay $0x1  }
0x11: {  	s4 =	simm.s32 $_scs_section_size  }
0x12: {  	s5 =	simm.s32 $_size__tile_overlayer_lowered;
	s6 =	simm.s32 $_tile_overlayer_lowered  }
0x13: {  	s23 =	simm.s32 $0x1BFF;
	s22 =	sshll.u32 s6, $0x1;
	s3 =	sadd.s32 s4, s20  }
0x14: {  	s7 =	simm.s32 $0x0;
	s21 =	sshll.u32 s5, $0x1;
	s5 =	sadd.s32 s22, s3  }
0x15: {  	[timem:s7], [sflag:s23] =	dma.local [hbm:s5], s21  }
0x16: {  	_ =	swait.ge [sflag:s23], s21  }
0x17: {  	s4 =	ssub.s32 $0x0, s21;
	[sflag:s23] =	ssyncset.done $0x0  }
0x18: {  	[sflag:s23] =	ssyncadd.s32 s4;
	_ =	sdelay $0x1  }
0x19: {  	s24 =	simm.s32 $0x1B8B  }
0x1a: {  	_ =	swait.ge [sflag:s24], $0x1  }
0x1b: {  	[sflag:s24] =	ssyncset.done $0x0  }
0x1c: {  	s26 =	simm.s32 $0x1B8E;
	s25 =	sld [smem:$0x3FFE];
	[sflag:s24] =	ssyncadd.s32 $0xFFFFFFFF  }
0x1d: {  	s27 =	simm.s32 $execute0_lowered;
	[smem:$0x3FD2] =	sst s26  }
0x1e: {  	s5 =	sshll.u32 s27, $0x1;
	_ =	strace $0x80000046;
	[dreg:$0x1] =	wrdreg $0xFFFFFFFF  }
0x1f: {  	s28 =	simm.s32 $_size_execute0_lowered;
	s3 =	sadd.s32 s3, s5;
	[dreg:$0x0] =	wrdreg $0x0  }
0x20: {  	s5 =	sshll.u32 s28, $0x1;
	[dreg:$0x2] =	wrdreg s3  }
0x21: {  	[dreg:$0x3] =	wrdreg s5  }
0x22: {  	[dreg:$0x4] =	wrdreg $0xC0  }
0x23: {  	_ =	task [dreg:s7], $0x5FFFF  }
0x24: {  	[dreg:$0x1] =	wrdreg $0xFFFFFFFF  }
0x25: {  	[dreg:$0x0] =	wrdreg $0x60  }
0x26: {  	[dreg:$0x2] =	wrdreg s2  }
0x27: {  	[dreg:$0x3] =	wrdreg s25  }
0x28: {  	[dreg:$0x4] =	wrdreg $0x9  }
0x29: {  	_ =	task.clear_ibuf [dreg:s7], $0x5FFFF;
	_ =	strace $0x90000046  }
0x2a: {  	s29 =	simm.s32 $0x9;
	_ =	strace $0x80000048  }
0x2b: {  	_ =	swait.ge [sflag:s29], $0x1  }
0x2c: {  	[sflag:s29] =	ssyncadd.s32 $0xFFFFFFFF  }
0x2d: {  	_ =	strace $0x90000048  }
0x2e: {  	_ =	sfence  }
0x2f: {  	s30 =	sld [smem:$0x0];
	_ =	sdelay $0x2  }
0x30: {  	s31 =	sshll.u32 s1, $0xD;
	s1 =	sshrl.u32 s1, $0x2  }
0x31: {  	s3 =	sand.u32 $0x4000, s31;
	s1 =	sadd.s32 s1, s30  }
0x32: {  	s0 =	sor.u32 s3, s0;
	s1 =	sshll.u32 s1, $0x11  }
0x33: {  	s0 =	sor.u32 s1, s0  }
0x34: {  	s0 =	sadd.s32 $0x8F2B, s0  }
0x35: {  	[sflag:s0] =	ssyncadd.remote.s32 $0x1  }
0x36: {  	_ =	sfence.sel $0xFFFF  }
0x37: {  	[dreg:$0x0] =	wrdreg $0xFFFFFFFF;
	(pc) =	sbr.abs _section_cstart, $3  }
0x38: {  	[dreg:$0x1] =	wrdreg $0xFFFFFFFF  }
0x39: {  	_ =	task.clear_ibuf [dreg:s7], $0x2FFFF;
	_ =	strace $0x9FFFFFFF  }
0x3a: {  	(tm) =	ssettm $0x7FFFFFFF  }
0x3b: {  	_ =	shalt  }
tec
execute0_lowered:
.L_overlay_start_1:
0x0: {  	(tag) =	ssettag $0x1  }
0x1: {  	s2 =	stileid.u32;
	s0 =	srdreg.scid  }
0x2: {  	_ =	strace $0x80000047;
	s1 =	sshll.u32 s2, $0x5;
	s0 =	sshll.u32 s0, $0x9  }
0x3: {  	s29 =	simm.s32 $0x1;
	s30 =	simm.s32 $0x2;
	s0 =	sor.u32 s1, s0  }
0x4: {  	s18 =	simm.s32 $0x0;
	s21 =	simm.s32 $0x0;
	s3 =	sand.u32 $0x380, s0  }
0x5: {  	s20 =	simm.s32 $0x0;
	s19 =	simm.s32 $0x0;
	s0 =	ssub.s32 $0x4E00, s3  }
0x6: {  	s9 =	simm.s32 $0x0;
	s10 =	simm.s32 $0x0;
	s0 =	sshrl.u32 s0, $0xA  }
0x7: {  	s11 =	simm.s32 $0x0;
	s13 =	simm.s32 $0x0;
	s0 =	smul.u32 $0x12, s0  }
.Ltmp0:
0x8: {  	s15 =	simm.s32 $0x0;
	s2 =	sand.u32 $0x3, s2;
	(pc) =	sbr.rel .LBB1_1-.Ltmp0, $4  }
0x9: {  	s16 =	simm.s32 $0x0;
	s17 =	simm.s32 $0x0;
	[dreg:$0x4] =	wrdreg s2  }
0xa: {  	[sflag:s29] =	ssyncpa.u1 $0x0;
	[dreg:$0x3] =	wrdreg s3;
	s31 =	sadd.s32 $0x12, s0  }
0xb: {  	[sflag:s30] =	ssyncpa.u1 $0x0;
	s8 =	sadd.s32 $0x13, s0;
	[dreg:$0x5] =	wrdreg s31  }
0xc: {  	s14 =	smov.u32 s2;
	s12 =	smov.u32 s3;
	[dreg:$0x6] =	wrdreg s8  }
.LBB1_18:
0xd: {  	s9 =	rddreg [dreg:$0x7]  }
0xe: {  	s13 =	rddreg [dreg:$0xb]  }
0xf: {  	s3 =	rddreg [dreg:$0x14]  }
0x10: {  	s4 =	rddreg [dreg:$0x16]  }
0x11: {  	s23 =	rddreg [dreg:$0x15]  }
0x12: {  	s11 =	rddreg [dreg:$0x9]  }
0x13: {  	s10 =	rddreg [dreg:$0x8]  }
0x14: {  	s5 =	rddreg [dreg:$0x1]  }
0x15: {  	s29 =	rddreg [dreg:$0x17]  }
0x16: {  	s8 =	rddreg [dreg:$0x6]  }
0x17: {  	s12 =	rddreg [dreg:$0xa]  }
0x18: {  	s14 =	rddreg [dreg:$0xc]  }
0x19: {  	s15 =	rddreg [dreg:$0xd]  }
0x1a: {  	s16 =	rddreg [dreg:$0xe]  }
0x1b: {  	s17 =	rddreg [dreg:$0xf]  }
0x1c: {  	s18 =	rddreg [dreg:$0x10]  }
0x1d: {  	s31 =	simm.s32 $0x80;
	s19 =	rddreg [dreg:$0x11];
	s0 =	sshll.u32 s9, $0x7  }
0x1e: {  	s1 =	sshll.u32 s13, $0x3;
	p0 =	sgt.s32 s13, $0x78;
	s24 =	smul.u32 $0x4E200, s11  }
0x1f: {  	s25 =	sshrl.u32 s13, $0x3;
	s2 =	sand.u32 $0xFFFFFC00, s0;
	s1 =	sand.u32 $0xFFFFFC00, s1  }
0x20: {  	s26 =	smul.u32 $0x1D4C00, s10;
	s0 =	sand.u32 $0x380, s0;
	s1 =	sadd.s32 s1, s2  }
0x21: {  	s27 =	sand.u32 $0x7, s13;
	s0 =	sor.u32 s0, s1;
	s1 =	smov.u32 s13  }
0x22: {  	s28 =	sshll.u32 s27, $0x12;
	s2 =	smov.u32 s9;
	s1 =	simm.s32 @!p0 $0x78  }
0x23: {  	s0 =	sshrl.u32 s0, $0x7;
	p0 =	sgt.s32 s9, $0x4DA0;
	s1 =	sadd.s32 s3, s1  }
0x24: {  	s20 =	smulhi.u32 $0x1A36E2F, s0;
	s2 =	simm.s32 @!p0 $0x4DA0;
	s21 =	sadd.s32 $0xFFFFFF88, s1  }
0x25: {  	s2 =	sadd.s32 s4, s2;
	s1 =	ssub.s32 $0x80, s1;
	p0 =	sgt.s32 s21, $0x7  }
0x26: {  	s3 =	sshrl.u32 s20, $0x7;
	s22 =	sadd.s32 $0xFFFFB260, s2;
	s1 =	simm.s32 @p0 $0x0  }
0x27: {  	s2 =	ssub.s32 $0x4E20, s2;
	p0 =	sgt.s32 s22, $0x7F;
	s1 =	smul.u32 s1, s23  }
0x28: {  	s30 =	sor.u32 $0x8, s28;
	s3 =	smul.u32 $0x4E20, s3;
	s2 =	simm.s32 @p0 $0x0  }
0x29: {  	s4 =	sadd.s32 s5, s24;
	s1 =	smul.u32 s2, s1;
	s2 =	sand.u32 $0xF, s25  }
0x2a: {  	s20 =	rddreg [dreg:$0x12];
	s0 =	ssub.s32 s0, s3;
	s2 =	sadd.s32 s2, s4  }
0x2b: {  	s21 =	rddreg [dreg:$0x13];
	s0 =	sshll.u32 s0, $0x4;
	s2 =	sadd.s32 s26, s2  }
0x2c: {  	s4 =	sor.u32 $0x800, s29;
	s1 =	sand.u32 $0x3FFFFFFF, s1;
	s0 =	sadd.s32 s0, s2  }
0x2d: {  	[hbm4b:s0+s30] =	stream.strided.scatter [tilespmem:s4], [sflag:$0x2], s1, s31, s30, $0x0;
	[tilespmem:$0x1100] =	vst v63  }
.LBB1_19:
0x2e: {  	p0 =	slt.u32 s17, $0x2;
	s0 =	smov.u32 s21;
	s2 =	smov.u32 s20  }
0x2f: {  	s4 =	smov.u32 s18;
	s6 =	rddreg [dreg:$0x4];
	p1 =	sgt.s32 @!p0 s21, $0x3  }
0x30: {  	s1 =	sshra.s32 @!p0 s21, $0x1F;
	s3 =	sshra.s32 @!p0 s20, $0x1F;
	p1 =	por !p1, p0  }
0x31: {  	p3 =	sgt.s32 @!p0 s18, $0x4DA0;
	s1 =	sand.u32 @!p0 s1, s21;
	s0 =	simm.s32 @p1 $0x3  }
0x32: {  	s21 =	smov.u32 s10;
	p1 =	sgt.s32 @!p0 s20, $0x5;
	s0 =	ssub.s32 @!p0 s0, s1  }
0x33: {  	s10 =	smov.u32 s14;
	p1 =	por !p1, p0;
	s1 =	sadd.s32 @!p0 $0xFFFFFFFD, s0  }
0x34: {  	s2 =	simm.s32 @p1 $0x5;
	s0 =	ssub.s32 @!p0 $0x4, s0;
	p2 =	sgt.s32 @!p0 s1, $0x0  }
0x35: {  	s1 =	sand.u32 @!p0 s3, s20;
	s3 =	sshra.s32 @!p0 s19, $0x1F;
	p1 =	por !p2, p0  }
0x36: {  	s1 =	ssub.s32 @!p0 s2, s1;
	p2 =	sgt.s32 @!p0 s19, $0x78;
	s3 =	sand.u32 @!p0 s3, s19  }
0x37: {  	s0 =	simm.s32 @!p1 $0x0;
	s2 =	sadd.s32 @!p0 $0xFFFFFFFB, s1;
	s1 =	ssub.s32 @!p0 $0x6, s1  }
0x38: {  	p2 =	por !p2, p0;
	p1 =	sgt.s32 @!p0 s2, $0x0;
	s2 =	smov.u32 s19  }
0x39: {  	p1 =	por !p1, p0;
	s2 =	simm.s32 @p2 $0x78;
	p2 =	por !p3, p0  }
0x3a: {  	s2 =	ssub.s32 @!p0 s2, s3;
	s3 =	sshra.s32 @!p0 s18, $0x1F;
	s4 =	simm.s32 @p2 $0x4DA0  }
0x3b: {  	s1 =	simm.s32 @!p1 $0x0;
	s3 =	sand.u32 @!p0 s3, s18;
	s5 =	sadd.s32 @!p0 $0xFFFFFF88, s2  }
0x3c: {  	s2 =	ssub.s32 @!p0 $0x80, s2;
	s3 =	ssub.s32 @!p0 s4, s3;
	p1 =	sgt.s32 @!p0 s5, $0x7  }
0x3d: {  	s5 =	smov.u32 s14;
	s4 =	sadd.s32 @!p0 $0xFFFFB260, s3;
	p1 =	por !p1, p0  }
0x3e: {  	p2 =	sgt.s32 @!p0 s4, $0x7F;
	s2 =	simm.s32 @!p1 $0x0;
	s4 =	sadd.s32 $0x400, s12  }
0x3f: {  	s1 =	smul.u32 @!p0 s2, s1;
	p1 =	sgt.s32 s4, $0x4E1F;
	s2 =	sadd.s32 $0x4, s14  }
0x40: {  	s3 =	ssub.s32 @!p0 $0x4E20, s3;
	p2 =	por !p2, p0;
	s5 =	smov.u32 @p1 s2  }
0x41: {  	s0 =	smul.u32 @!p0 s0, s1;
	p3 =	sgt.s32 s5, $0x3;
	s1 =	simm.s32 $0x1  }
0x42: {  	s3 =	simm.s32 @!p2 $0x0;
	s2 =	rddreg [dreg:$0x3];
	s1 =	simm.s32 @!p3 $0x0  }
0x43: {  	s4 =	smov.u32 @p1 s2;
	s2 =	sadd.s32 $0x8, s16;
	s1 =	sadd.s32 s1, s15  }
0x44: {  	s0 =	smul.u32 @!p0 s3, s0;
	s3 =	smov.u32 s16;
	p1 =	sgt.s32 s1, $0x5  }
0x45: {  	s20 =	smov.u32 s11;
	s11 =	smov.u32 s15;
	s3 =	smov.u32 @p1 s2  }
0x46: {  	s19 =	smov.u32 s13;
	s1 =	simm.s32 @p1 $0x0;
	p1 =	sgt.s32 s3, $0x11  }
0x47: {  	s13 =	smov.u32 s16;
	s3 =	simm.s32 @p1 $0x0;
	p1 =	sne.s32 s17, s8  }
.Ltmp1:
0x48: {  	s18 =	smov.u32 s9;
	s9 =	smov.u32 s12;
	(pc) =	sbr.rel @!p1 .LBB1_20-.Ltmp1, $4  }
0x49: {  	s5 =	smov.u32 @p3 s6;
	s0 =	sand.u32 @!p0 $0x3FFFFFFF, s0;
	s2 =	simm.s32 @!p0 $0x2  }
0x4a: {  	s12 =	smov.u32 s4;
	s14 =	smov.u32 s5;
	_ =	swait.ge @!p0 [sflag:s2], s0  }
0x4b: {  	s0 =	ssub.s32 @!p0 $0x0, s0;
	s15 =	smov.u32 s1;
	[sflag:s2] =	ssyncset.done @!p0 $0x0  }
0x4c: {  	s17 =	sadd.s32 $0x1, s17;
	[sflag:s2] =	ssyncadd.s32 @!p0 s0;
	s16 =	smov.u32 s3  }
.LBB1_1:
0x4d: {  	s0 =	rddreg [dreg:$0x5]  }
0x4e: {  	p0 =	sge.u32 s17, s0  }
.Ltmp2:
0x4f: {  	_ = 	snop;
	(pc) =	sbr.rel @p0 .LBB1_3-.Ltmp2, $1  }
0x50: {  	_ =	sdelay $0x3  }
0x51: {  	s0 =	sshrl.u32 s14, $0x2;
	s1 =	sshll.u32 s12, $0x2  }
0x52: {  	s2 =	sshll.u32 s14, $0x7;
	s30 =	sand.u32 $0x7F, s12;
	s0 =	smul.u32 $0x13A00, s0  }
0x53: {  	p0 =	sgt.s32 s16, $0xA;
	s3 =	smov.u32 s16;
	s1 =	sand.u32 $0xFFFFFE00, s1  }
0x54: {  	s4 =	sshra.s32 s16, $0x1F;
	s29 =	sand.u32 $0x180, s2;
	s0 =	sadd.s32 s0, s1  }
0x55: {  	s5 =	sshra.s32 s15, $0x1F;
	s25 =	smul.u32 $0xEB80, s16;
	s0 =	sor.u32 s29, s0  }
0x56: {  	s22 =	sxor.u32 $0xFFFFFFFF, s17;
	s26 =	smul.u32 $0x2740, s15;
	s1 =	sor.u32 s30, s0  }
0x57: {  	s23 =	sshra.s32 s12, $0x1F;
	s3 =	simm.s32 @!p0 $0xA;
	s2 =	smulhi.u32 $0x342DA7F3, s1  }
0x58: {  	s4 =	sand.u32 s4, s16;
	p0 =	sgt.s32 s15, $0x5;
	s6 =	sand.u32 s5, s15  }
0x59: {  	s31 =	ssub.s32 s3, s4;
	s3 =	smov.u32 s15;
	s2 =	sshrl.u32 s2, $0xC  }
0x5a: {  	s4 =	sadd.s32 $0xFFFFFFF6, s31;
	s3 =	simm.s32 @!p0 $0x5;
	s2 =	smul.u32 $0x4E80, s2  }
0x5b: {  	s5 =	sshll.u32 s22, $0xA;
	p0 =	sgt.s32 s4, $0x7;
	s3 =	ssub.s32 s3, s6  }
0x5c: {  	s4 =	smov.u32 s14;
	s1 =	ssub.s32 s1, s2;
	s2 =	ssub.s32 $0x12, s31  }
0x5d: {  	s6 =	sshra.s32 s14, $0x1F;
	s2 =	simm.s32 @p0 $0x0;
	p0 =	sgt.s32 s14, $0x3  }
0x5e: {  	s7 =	sadd.s32 $0xFFFFFFFB, s3;
	s6 =	sand.u32 s6, s14;
	s4 =	simm.s32 @!p0 $0x3  }
0x5f: {  	s3 =	ssub.s32 $0x6, s3;
	p0 =	sgt.s32 s7, $0x0;
	s4 =	ssub.s32 s4, s6  }
0x60: {  	s0 =	smulhi.u32 $0x342DA7F3, s0;
	s3 =	simm.s32 @p0 $0x0;
	s6 =	sadd.s32 $0xFFFFFFFD, s4  }
0x61: {  	s2 =	smul.u32 s2, s3;
	s3 =	ssub.s32 $0x4, s4;
	p0 =	sgt.s32 s6, $0x0  }
0x62: {  	s4 =	smov.u32 s12;
	s3 =	simm.s32 @p0 $0x0;
	p0 =	sgt.s32 s12, $0x4E00  }
0x63: {  	s0 =	sshrl.u32 s0, $0xC;
	s6 =	sand.u32 s23, s12;
	s4 =	simm.s32 @!p0 $0x4E00  }
0x64: {  	s5 =	sand.u32 $0x400, s5;
	s0 =	sand.u32 $0x3, s0;
	s24 =	ssub.s32 s4, s6  }
0x65: {  	s0 =	smul.u32 $0x9D0, s0;
	s7 =	rddreg [dreg:$0x0];
	s4 =	sadd.s32 $0xFFFFB200, s24  }
0x66: {  	s2 =	smul.u32 s3, s2;
	s3 =	ssub.s32 $0x4E80, s24;
	p0 =	sgt.s32 s4, $0x7F  }
0x67: {  	s31 =	simm.s32 $0x75C00;
	s6 =	sadd.s32 s7, s25;
	s3 =	simm.s32 @p0 $0x0  }
0x68: {  	s28 =	sand.u32 $0x7, s1;
	s27 =	sadd.s32 s26, s6;
	s2 =	smul.u32 s3, s2  }
0x69: {  	s1 =	sshrl.u32 s1, $0x3;
	s29 =	sshll.u32 s28, $0x12;
	s0 =	sadd.s32 s0, s27  }
0x6a: {  	s30 =	sor.u32 $0x80, s29;
	s0 =	sadd.s32 s1, s0;
	s2 =	sand.u32 $0x3FFFFFFF, s2  }
0x6b: {  	[tilespmem:s5], [sflag:$0x1] =	stream.strided.gather [hbm4b:s0+s30], s2, s31, s30, $0x38;
	[tilespmem:$0x1100] =	vst v63  }
.LBB1_3:
0x6c: {  	p0 =	seq.s32 s17, $0x0  }
0x6d: {  	p1 =	sge.u32 @!p0 s17, s8  }
0x6e: {  	p0 =	por p0, p1  }
.Ltmp3:
0x6f: {  	_ = 	snop;
	(pc) =	sbr.rel @p0 .LBB1_19-.Ltmp3, $1  }
0x70: {  	_ =	sdelay $0x3  }
0x71: {  	[dreg:$0x13] =	wrdreg s21  }
0x72: {  	[dreg:$0x12] =	wrdreg s20  }
0x73: {  	[dreg:$0x11] =	wrdreg s19  }
0x74: {  	[dreg:$0x10] =	wrdreg s18  }
0x75: {  	[dreg:$0xe] =	wrdreg s16  }
0x76: {  	[dreg:$0xd] =	wrdreg s15  }
0x77: {  	[dreg:$0xc] =	wrdreg s14  }
0x78: {  	[dreg:$0xa] =	wrdreg s12  }
0x79: {  	s0 =	ssub.s32 $0x0, s13;
	s1 =	sshra.s32 s13, $0x1F;
	p0 =	sgt.s32 s13, $0xA  }
0x7a: {  	s2 =	smov.u32 s13;
	s23 =	sshra.s32 s11, $0x1F;
	s4 =	sshra.s32 s10, $0x1F  }
0x7b: {  	p2 =	sgt.s32 s9, $0x4E00;
	s25 =	ssub.s32 $0x0, s9;
	[dreg:$0x7] =	wrdreg s9  }
0x7c: {  	s6 =	sshra.s32 s9, $0x1F;
	[dreg:$0xb] =	wrdreg s13;
	s0 =	sand.u32 s0, s1  }
0x7d: {  	s2 =	simm.s32 @!p0 $0xA;
	p0 =	sgt.s32 s11, $0x5;
	s1 =	smov.u32 s11  }
0x7e: {  	s4 =	sand.u32 s4, s10;
	s26 =	sand.u32 s25, s6;
	[dreg:$0x14] =	wrdreg s0  }
0x7f: {  	s0 =	sadd.s32 s0, s2;
	s1 =	simm.s32 @!p0 $0x5;
	s2 =	sand.u32 s23, s11  }
0x80: {  	p0 =	sgt.s32 s10, $0x3;
	s1 =	ssub.s32 s1, s2;
	s2 =	smov.u32 s10  }
0x81: {  	s3 =	sadd.s32 $0xFFFFFFF6, s0;
	s5 =	sadd.s32 $0xFFFFFFFB, s1;
	s2 =	simm.s32 @!p0 $0x3  }
0x82: {  	p0 =	sgt.s32 s3, $0x7;
	s1 =	ssub.s32 $0x6, s1;
	s2 =	ssub.s32 s2, s4  }
0x83: {  	p1 =	sgt.s32 s5, $0x0;
	s4 =	smov.u32 s9;
	s24 =	sadd.s32 $0xFFFFFFFD, s2  }
0x84: {  	s4 =	simm.s32 @!p2 $0x4E00;
	s2 =	ssub.s32 $0x4, s2;
	p2 =	sgt.s32 s24, $0x0  }
0x85: {  	s1 =	simm.s32 @p1 $0x0;
	s3 =	sadd.s32 s26, s4;
	s2 =	simm.s32 @p2 $0x0  }
0x86: {  	s0 =	ssub.s32 $0x12, s0;
	s4 =	sadd.s32 $0xFFFFB200, s3;
	s2 =	smul.u32 s1, s2  }
0x87: {  	s0 =	simm.s32 @p0 $0x0;
	p0 =	sgt.s32 s4, $0x7F;
	s1 =	ssub.s32 $0x4E80, s3  }
0x88: {  	[dreg:$0x15] =	wrdreg s2;
	s0 =	smul.u32 s0, s2;
	s2 =	sadd.s32 $0x8, s13  }
0x89: {  	s3 =	sadd.s32 $0x1, s11;
	s1 =	simm.s32 @p0 $0x0;
	p0 =	slt.s32 s2, $0x12  }
0x8a: {  	s0 =	smul.u32 s1, s0;
	s2 =	simm.s32 @!p0 $0x12;
	p0 =	slt.s32 s3, $0x6  }
0x8b: {  	s1 =	sadd.s32 $0x1, s10;
	s2 =	ssub.s32 s2, s13;
	s3 =	simm.s32 @!p0 $0x6  }
0x8c: {  	p1 =	slt.s32 s1, $0x4;
	s3 =	ssub.s32 s3, s11;
	p0 =	slt.s32 s2, $0x1  }
0x8d: {  	[dreg:$0x9] =	wrdreg s11;
	s1 =	simm.s32 @!p1 $0x4;
	p1 =	slt.s32 @!p0 s3, $0x1  }
0x8e: {  	[dreg:$0x8] =	wrdreg s10;
	s30 =	ssub.s32 s1, s10;
	p1 =	por p0, p1  }
0x8f: {  	[dreg:$0xf] =	wrdreg s17;
	p2 =	slt.s32 @!p1 s30, $0x1  }
0x90: {  	[dreg:$0x16] =	wrdreg s26;
	p1 =	por p1, p2  }
.Ltmp4:
0x91: {  	s28 =	simm.s32 $0x1;
	[dreg:$0x18] =	wrdreg s2;
	(pc) =	sbr.rel @p1 .LBB1_18-.Ltmp4, $4  }
0x92: {  	s27 =	sand.u32 $0x3FFFFFFF, s0;
	s0 =	sand.u32 $0x1, s17;
	[dreg:$0x19] =	wrdreg s3  }
0x93: {  	s31 =	smul.u32 $0x480, s0;
	_ =	swait.ge [sflag:s28], s27  }
0x94: {  	s29 =	ssub.s32 $0x0, s27;
	[sflag:s28] =	ssyncset.done $0x0  }
0x95: {  	[dreg:$0x17] =	wrdreg s31;
	[sflag:s28] =	ssyncadd.s32 s29  }
0x96: {  	s2 =	rddreg [dreg:$0x7]  }
0x97: {  	s1 =	sadd.s32 $0x80, s2  }
0x98: {  	p1 =	slt.s32 s1, $0x4E20  }
.Ltmp5:
0x99: {  	s1 =	simm.s32 @!p1 $0x4E20;
	(pc) =	sbr.rel .LBB1_6-.Ltmp5, $4  }
0x9a: {  	s1 =	ssub.s32 s1, s2  }
0x9b: {  	s0 =	sshll.u32 @!p0 s0, $0xA;
	s9 =	simm.s32 $0x0;
	s3 =	sadd.s32 $0xF, s1  }
0x9c: {  	s2 =	rddreg [dreg:$0x17];
	s31 =	sand.u32 $0xFFFFFFF0, s3;
	s1 =	sand.u32 @!p0 $0xFFFFFF00, s3  }
0x9d: {  	s2 =	sor.u32 @!p0 $0x800, s2;
	p0 =	slt.s32 s3, $0x100;
	p1 =	sge.s32 s1, s31  }
.LBB1_17:
0x9e: {  	s9 =	sadd.s32 $0x1, s9;
	s3 =	rddreg [dreg:$0x18]  }
0x9f: {  	p2 =	sne.s32 s9, s3  }
.Ltmp6:
0xa0: {  	_ = 	snop;
	(pc) =	sbr.rel @!p2 .LBB1_18-.Ltmp6, $1  }
0xa1: {  	_ =	sdelay $0x3  }
.LBB1_6:
0xa2: {  	s3 =	sshrl.u32 s9, $0x4  }
0xa3: {  	s4 =	sshll.u32 s9, $0x3;
	s5 =	sand.u32 $0x78, s3  }
0xa4: {  	s6 =	sadd.s32 $0x800, s4;
	s8 =	sadd.s32 $0x1000, s4;
	s10 =	sadd.s32 $0x1800, s4  }
0xa5: {  	s25 =	sadd.s32 $0x2800, s4;
	s28 =	sadd.s32 $0x3000, s4;
	s4 =	sadd.s32 $0x3800, s4  }
0xa6: {  	s7 =	smul.u32 $0x24, s5;
	s6 =	sshrl.u32 s6, $0x7;
	s5 =	sxor.u32 $0x40, s5  }
0xa7: {  	s8 =	sshrl.u32 s8, $0x7;
	s6 =	sand.u32 $0x78, s6;
	s12 =	smul.u32 $0x24, s5  }
0xa8: {  	s10 =	sshrl.u32 s10, $0x7;
	s8 =	sand.u32 $0x78, s8;
	s6 =	smul.u32 $0x24, s6  }
0xa9: {  	s26 =	sshrl.u32 s25, $0x7;
	s10 =	sand.u32 $0x78, s10;
	s8 =	smul.u32 $0x24, s8  }
0xaa: {  	s4 =	sshrl.u32 s4, $0x7;
	s5 =	sand.u32 $0x78, s26;
	s11 =	smul.u32 $0x24, s10  }
0xab: {  	s4 =	sand.u32 $0x78, s4;
	s13 =	smul.u32 $0x24, s5  }
0xac: {  	s15 =	smul.u32 $0x24, s4  }
.Ltmp7:
0xad: {  	s20 =	simm.s32 $0x0;
	s10 =	sshrl.u32 s28, $0x7;
	(pc) =	sbr.rel .LBB1_7-.Ltmp7, $4  }
0xae: {  	s7 =	sshrl.u32 s7, $0x2;
	s29 =	sand.u32 $0x78, s10;
	s10 =	sand.u32 $0x7F, s9  }
0xaf: {  	s24 =	sshrl.u32 s12, $0x2;
	s14 =	smul.u32 $0x24, s29;
	s5 =	sadd.s32 s10, s2  }
0xb0: {  	s6 =	sshrl.u32 s6, $0x2;
	s4 =	sshrl.u32 s8, $0x2;
	s8 =	sshrl.u32 s11, $0x2  }
0xb1: {  	s27 =	sshrl.u32 s13, $0x2;
	s26 =	sshrl.u32 s15, $0x2;
	s25 =	sshrl.u32 s14, $0x2  }
.LBB1_16:
0xb2: {  	s20 =	sadd.s32 $0x1, s20;
	s11 =	rddreg [dreg:$0x19]  }
0xb3: {  	p2 =	sne.s32 s20, s11  }
.Ltmp8:
0xb4: {  	_ = 	snop;
	(pc) =	sbr.rel @!p2 .LBB1_17-.Ltmp8, $1  }
0xb5: {  	_ =	sdelay $0x3  }
.LBB1_7:
.Ltmp9:
0xb6: {  	(pc) =	sbr.rel .LBB1_8-.Ltmp9, $4  }
0xb7: {  	s21 =	sadd.s32 s9, s20  }
0xb8: {  	s11 =	sshll.u32 s21, $0x9  }
0xb9: {  	s11 =	sshra.s32 s11, $0x2  }
0xba: {  	s22 =	simm.s32 $0x0;
	s17 =	sadd.s32 s11, s0  }
.LBB1_15:
0xbb: {  	s22 =	sadd.s32 $0x1, s22  }
0xbc: {  	p2 =	sne.s32 s22, s30  }
.Ltmp10:
0xbd: {  	_ = 	snop;
	(pc) =	sbr.rel @!p2 .LBB1_16-.Ltmp10, $1  }
0xbe: {  	_ =	sdelay $0x3  }
.LBB1_8:
.Ltmp11:
0xbf: {  	(pc) =	sbr.rel @p0 .LBB1_12-.Ltmp11, $2  }
0xc0: {  	_ =	sdelay $0x2  }
0xc1: {  	s23 =	sadd.s32 s20, s22  }
0xc2: {  	s11 =	smul.u32 $0x1200, s23  }
0xc3: {  	s12 =	sshll.u32 s22, $0x7  }
0xc4: {  	s18 =	sand.u32 $0x180, s12;
	s11 =	sshra.s32 s11, $0x2  }
0xc5: {  	s14 =	sadd.s32 s18, s17;
	s15 =	sadd.s32 s11, s2  }
0xc6: {  	v0 =	vld [tilespmem:s14+$0x70];
	s19 =	sadd.s32 s7, s15;
	s13 =	sadd.s32 s6, s15  }
0xc7: {  	v3 =	vld [tilespmem:s14+$0x60];
	s16 =	sadd.s32 s24, s15;
	s28 =	sadd.s32 s25, s15;
	s18 =	sadd.s32 s10, s19  }
0xc8: {  	v1 =	vld [tilespmem:s14+$0x50];
	s12 =	sadd.s32 s10, s13;
	s13 =	sadd.s32 s4, s15;
	s19 =	sadd.s32 s8, s15  }
0xc9: {  	v2 =	vld [tilespmem:s14+$0x40];
	s29 =	sadd.s32 s26, s15;
	s11 =	sadd.s32 s10, s13;
	s13 =	sadd.s32 s10, s19  }
0xca: {  	v4 =	vld [tilespmem:s14+$0x30];
	s19 =	sadd.s32 s27, s15;
	s15 =	sadd.s32 s10, s28;
	s28 =	sadd.s32 s10, s29  }
0xcb: {  	v5 =	vld [tilespmem:s14+$0x20];
	[tilespmem:s28+$0x0 ss:$0x9] =	vst.msk $0xffff, v0  }
0xcc: {  	v6 =	vld [tilespmem:s14+$0x10];
	s19 =	sadd.s32 s10, s19;
	[tilespmem:s15+$0x0 ss:$0x9] =	vst.msk $0xffff, v3  }
0xcd: {  	v7 =	vld [tilespmem:s14+$0x0];
	s16 =	sadd.s32 s10, s16;
	[tilespmem:s19+$0x0 ss:$0x9] =	vst.msk $0xffff, v1  }
0xce: {  	[tilespmem:s16+$0x0 ss:$0x9] =	vst.msk $0xffff, v2  }
0xcf: {  	[tilespmem:s13+$0x0 ss:$0x9] =	vst.msk $0xffff, v4  }
0xd0: {  	p2 =	sgt.s32 s1, $0x100;
	[tilespmem:s11+$0x0 ss:$0x9] =	vst.msk $0xffff, v5  }
.Ltmp12:
0xd1: {  	[tilespmem:s12+$0x0 ss:$0x9] =	vst.msk $0xffff, v6;
	(pc) =	sbr.rel @!p2 .LBB1_11-.Ltmp12, $4  }
0xd2: {  	[tilespmem:s18+$0x0 ss:$0x9] =	vst.msk $0xffff, v7  }
0xd3: {  	[tilespmem:s18+$0x0 ss:$0x9] =	vst.msk $0xffff, v7  }
0xd4: {  	[tilespmem:s12+$0x0 ss:$0x9] =	vst.msk $0xffff, v6  }
0xd5: {  	s29 =	simm.s32 $0x100;
	[tilespmem:s11+$0x0 ss:$0x9] =	vst.msk $0xffff, v5  }
.LBB1_10:
0xd6: {  	v5 =	vld [tilespmem:s14+$0x70];
	[tilespmem:s13+$0x0 ss:$0x9] =	vst.msk $0xffff, v4  }
0xd7: {  	v6 =	vld [tilespmem:s14+$0x60];
	[tilespmem:s16+$0x0 ss:$0x9] =	vst.msk $0xffff, v2  }
0xd8: {  	[tilespmem:s19+$0x0 ss:$0x9] =	vst.msk $0xffff, v1;
	v1 =	vld [tilespmem:s14+$0x50]  }
0xd9: {  	v2 =	vld [tilespmem:s14+$0x40];
	[tilespmem:s15+$0x0 ss:$0x9] =	vst.msk $0xffff, v3  }
0xda: {  	v4 =	vld [tilespmem:s14+$0x30];
	[tilespmem:s28+$0x0 ss:$0x9] =	vst.msk $0xffff, v0  }
0xdb: {  	v7 =	vld [tilespmem:s14+$0x20];
	[tilespmem:s28+$0x0 ss:$0x9] =	vst.msk $0xffff, v5;
	v0 =	vmov v5  }
0xdc: {  	v5 =	vld [tilespmem:s14+$0x10];
	[tilespmem:s15+$0x0 ss:$0x9] =	vst.msk $0xffff, v6;
	v3 =	vmov v6  }
0xdd: {  	s29 =	sadd.s32 $0x100, s29;
	v6 =	vld [tilespmem:s14+$0x0];
	[tilespmem:s19+$0x0 ss:$0x9] =	vst.msk $0xffff, v1  }
0xde: {  	p2 =	slt.s32 s29, s1;
	[tilespmem:s16+$0x0 ss:$0x9] =	vst.msk $0xffff, v2  }
0xdf: {  	[tilespmem:s13+$0x0 ss:$0x9] =	vst.msk $0xffff, v4  }
0xe0: {  	[tilespmem:s11+$0x0 ss:$0x9] =	vst.msk $0xffff, v7  }
.Ltmp13:
0xe1: {  	[tilespmem:s12+$0x0 ss:$0x9] =	vst.msk $0xffff, v5;
	(pc) =	sbr.rel @p2 .LBB1_10-.Ltmp13, $4  }
0xe2: {  	[tilespmem:s18+$0x0 ss:$0x9] =	vst.msk $0xffff, v6  }
0xe3: {  	[tilespmem:s18+$0x0 ss:$0x9] =	vst.msk $0xffff, v6  }
0xe4: {  	[tilespmem:s12+$0x0 ss:$0x9] =	vst.msk $0xffff, v5  }
0xe5: {  	[tilespmem:s11+$0x0 ss:$0x9] =	vst.msk $0xffff, v7  }
.LBB1_11:
0xe6: {  	[tilespmem:s13+$0x0 ss:$0x9] =	vst.msk $0xffff, v4  }
0xe7: {  	[tilespmem:s16+$0x0 ss:$0x9] =	vst.msk $0xffff, v2  }
0xe8: {  	[tilespmem:s19+$0x0 ss:$0x9] =	vst.msk $0xffff, v1  }
0xe9: {  	[tilespmem:s15+$0x0 ss:$0x9] =	vst.msk $0xffff, v3  }
0xea: {  	[tilespmem:s28+$0x0 ss:$0x9] =	vst.msk $0xffff, v0  }
.LBB1_12:
.Ltmp14:
0xeb: {  	(pc) =	sbr.rel @p1 .LBB1_15-.Ltmp14, $1  }
0xec: {  	_ =	sdelay $0x3  }
0xed: {  	s11 =	sand.u32 $0x3, s22  }
0xee: {  	s11 =	sadd.s32 s11, s21  }
0xef: {  	s11 =	sshll.u32 s11, $0x9  }
0xf0: {  	s11 =	sshra.s32 s11, $0x2  }
0xf1: {  	s12 =	smul.u32 $0x1200, s23;
	s13 =	sadd.s32 s11, s0  }
0xf2: {  	v0 =	vmov s13  }
0xf3: {  	s29 =	sshra.s32 s12, $0x2  }
0xf4: {  	s12 =	smov.u32 s1;
	s11 =	sadd.s32 s29, s5  }
.LBB1_14:
0xf5: {  	s14 =	sadd.s32 s12, s3  }
0xf6: {  	s13 =	sand.u32 $0x70, s12;
	s12 =	sadd.s32 $0x10, s12;
	s29 =	sand.u32 $0x78, s14  }
0xf7: {  	v1 =	vld.idx.msk [tilespmem:v0+s13+$0x0 ss:$0x1], $0xffff;
	p2 =	slt.s32 s12, s31;
	s13 =	smul.u32 $0x24, s29  }
.Ltmp15:
0xf8: {  	_ = 	snop;
	(pc) =	sbr.rel @p2 .LBB1_14-.Ltmp15, $4  }
0xf9: {  	_ = 	snop  }
0xfa: {  	s13 =	sshrl.u32 s13, $0x2  }
0xfb: {  	s13 =	sadd.s32 s13, s11  }
0xfc: {  	[tilespmem:s13+$0x0 ss:$0x9] =	vst.msk $0xffff, v1  }
.Ltmp16:
0xfd: {  	_ = 	snop;
	(pc) =	sbr.rel .LBB1_15-.Ltmp16, $1  }
0xfe: {  	_ =	sdelay $0x3  }
.LBB1_20:
0xff: {  	_ =	sfence.sel $0x180000  }
0x100: {  	s0 =	simm.s32 $0x1;
	[bflag:$0x0] =	sbarrier.arrive $0xFFFF  }
0x101: {  	s30 =	simm.s32 $0x2;
	[sflag:s0] =	ssyncpa.u1 $0x1  }
0x102: {  	[sflag:s30] =	ssyncpa.u1 $0x1  }
0x103: {  	_ =	strace $0x90000047  }
0x104: {  	s31 =	stileid.u32;
	[bflag:$0x2] =	sbarrier.arrive $0xFFFF  }
0x105: {  	p0 =	sne.s32 s31, $0x0;
	s0 =	rddreg [dreg:$0x2]  }
0x106: {  	s0 =	sadd.s32 @!p0 $0x100000, s0  }
0x107: {  	[sflag:s0] =	ssyncadd.tile.s32 @!p0 $0x1;
	_ =	shalt  }
.Lfunc_end1:
_tile_overlayer_lowered:
.L_overlay_start_2:
0x108: {  	(tag) =	ssettag $0x2  }
0x109: {  	s0 =	rddreg [dreg:$0x0];
	s2 =	stileid.u32  }
0x10a: {  	s1 =	rddreg [dreg:$0x1];
	p0 =	sne.s32 s2, $0x0  }
0x10b: {  	s3 =	rddreg [dreg:$0x2];
	[bflag:$0x3] =	sbarrier.arrive $0xFFFF;
	s2 =	simm.s32 @!p0 $0x1C01  }
0x10c: {  	[timem:s3], [sflag:s2] =	dma.local @!p0 [hbm:s0], s1  }
0x10d: {  	s0 =	simm.s32 @!p0 $0x1  }
0x10e: {  	_ =	swait.ge @!p0 [sflag:s0], s1  }
0x10f: {  	s1 =	ssub.s32 @!p0 $0x0, s1;
	[sflag:s0] =	ssyncset.done @!p0 $0x0  }
0x110: {  	[sflag:s0] =	ssyncadd.s32 @!p0 s1  }
0x111: {  	[bflag:$0x3] =	sbarrier.arrive $0xFFFF  }
0x112: {  	_ =	shalt  }

</sc_bundles>
